<compile_context>
chip_gen: v7x
topology: tpu7x:2x2x1
jax: 0.10.2.dev20260603
libtpu: 0.0.44.dev20260713+nightly
codegen_flags: <defaults>
</compile_context>

<pallas_src>
import functools

import jax
import jax.numpy as jnp
from jax import lax
from jax.experimental import pallas as pl
from jax.experimental.pallas import tpu as pltpu
from jax.experimental.pallas import tpu_sc as plsc

_B = 4096
_N = 100
_R = 128
_BIG = 1e30
_NW = 32
_RPW = _B // _NW
_L = 16


def _sc_body(x_hbm, t_hbm, out_hbm, x_v, t_v, o_v):
    wid = lax.axis_index("s") * 2 + lax.axis_index("c")
    base = wid * _RPW
    pltpu.sync_copy(x_hbm.at[pl.ds(base, _RPW)], x_v)
    pltpu.sync_copy(t_hbm.at[pl.ds(base, _RPW)], t_v)
    lane = lax.iota(jnp.int32, _L)

    def row_step(r, s):
        xv = x_v[r, pl.ds(0, _L)]
        return s + xv[0]

    total = lax.fori_loop(0, _RPW, row_step, jnp.float32(0.0))
    o_v[...] = jnp.where(lane < 0, total, 0.0)
    pltpu.sync_copy(o_v, out_hbm.at[wid])


def _tc_body(x_ref, t_ref, out_ref, acc_ref):
    i = pl.program_id(0)
    x = x_ref[...]
    t = t_ref[...]
    is_pos = t == 1
    pos = is_pos.astype(jnp.float32)
    n_pos = jnp.sum(pos, axis=0, keepdims=True)
    n_neg = (1.0 * _N) - n_pos
    relu = lambda v: jnp.maximum(v, 0.0)
    a = jnp.where(is_pos, -_BIG, 1.0 + x)
    b = jnp.where(is_pos, 1.0 - x, -_BIG)
    neg_sum = jnp.sum(relu(a), axis=0, keepdims=True)
    pos_sum = jnp.sum(relu(b), axis=0, keepdims=True)
    neg_calib_raw = neg_sum / jnp.maximum(n_neg, 1.0)
    pos_calib_raw = pos_sum / jnp.maximum(n_pos, 1.0)
    neg_calib = jnp.where(n_neg > 0, neg_calib_raw, 0.0)
    pos_calib = jnp.where(n_pos > 0, pos_calib_raw, 0.0)
    xb = x.astype(jnp.bfloat16)
    ab = jnp.where(is_pos, jnp.bfloat16(-_BIG), jnp.bfloat16(1.0) + xb)
    acc0 = relu(ab[0:1, :] - xb)
    acc1 = relu(ab[1:2, :] - xb)
    for j in range(2, _N, 2):
        acc0 = acc0 + relu(ab[j : j + 1, :] - xb)
        acc1 = acc1 + relu(ab[j + 1 : j + 2, :] - xb)
    pair_sum = jnp.sum(
        (acc0.astype(jnp.float32) + acc1.astype(jnp.float32)) * pos,
        axis=0, keepdims=True)
    n_pairs = n_neg * n_pos
    pair_mean = pair_sum / jnp.maximum(n_pairs, 1.0)
    l_hinge = jnp.where(
        n_pairs > 0, pair_mean,
        jnp.where((n_neg == 0) & (n_pos == 0), 1.0,
                  jnp.where(n_neg == 0, pos_calib_raw, neg_calib_raw)))
    part = jnp.sum(l_hinge + neg_calib + pos_calib)

    @pl.when(i == 0)
    def _init():
        acc_ref[0] = 0.0

    acc_ref[0] += part

    @pl.when(i == pl.num_programs(0) - 1)
    def _fin():
        out_ref[0] = acc_ref[0] * (1.0 / _B)


@jax.jit
def kernel(outputs, targets):
    sck = functools.partial(
        pl.kernel,
        mesh=plsc.VectorSubcoreMesh(core_axis_name="c", subcore_axis_name="s"),
        out_type=jax.ShapeDtypeStruct((_NW, _L), jnp.float32),
        scratch_types=[
            pltpu.VMEM((_RPW, _N), jnp.float32),
            pltpu.VMEM((_RPW, _N), jnp.int32),
            pltpu.VMEM((_L,), jnp.float32),
        ],
    )(_sc_body)
    partials = sck(outputs, targets)

    xt = outputs.T
    tt = targets.T
    out = pl.pallas_call(
        _tc_body,
        grid=(_B // _R,),
        in_specs=[
            pl.BlockSpec((_N, _R), lambda i: (0, i)),
            pl.BlockSpec((_N, _R), lambda i: (0, i)),
        ],
        out_specs=pl.BlockSpec(memory_space=pltpu.SMEM),
        out_shape=jax.ShapeDtypeStruct((1,), jnp.float32),
        scratch_shapes=[pltpu.SMEM((1,), jnp.float32)],
    )(xt, tt)
    return out[0] + jnp.sum(partials)

# --- scband reference (transcript-rebuilt; emitter-appended) ---
"""Pipeline reference for scband-hinge-calibrated-ranking-2869038153762 (READ-ONLY COPY).

The authoritative reference and input builder live on the scoring server;
editing this copy changes nothing except your own understanding.
"""

import jax, jax.numpy as jnp
import numpy as np


def setup_inputs(seed: int = 0) -> dict:
    key = jax.random.key(seed)
    k1, k2 = jax.random.split(key)
    outputs = jax.random.normal(k1, (4096, 100), dtype=jnp.float32)
    targets = jax.random.randint(k2, (4096, 100), 0, 2).astype(jnp.int32)
    return {"outputs": outputs, "targets": targets}


def reference(outputs, targets):
    relu = jax.nn.relu
    pos_mask = (targets == 1).astype(outputs.dtype)
    neg_mask = 1.0 - pos_mask
    n_pos = pos_mask.sum(axis=1)
    n_neg = neg_mask.sum(axis=1)

    neg_calib_raw = (relu(1.0 + outputs) * neg_mask).sum(axis=1) / jnp.maximum(n_neg, 1.0)
    pos_calib_raw = (relu(1.0 - outputs) * pos_mask).sum(axis=1) / jnp.maximum(n_pos, 1.0)
    neg_calib = jnp.where(n_neg > 0, neg_calib_raw, 0.0)
    pos_calib = jnp.where(n_pos > 0, pos_calib_raw, 0.0)

    # pairwise hinge: relu(1 + negative_j - positive_k), mean over (n_neg * n_pos) pairs
    hinge = relu(1.0 + outputs[:, :, None] - outputs[:, None, :])  # [B, N, N]: axis1=neg candidate, axis2=pos candidate
    pair_mask = neg_mask[:, :, None] * pos_mask[:, None, :]
    n_pairs = n_neg * n_pos
    pair_mean = (hinge * pair_mask).sum(axis=(1, 2)) / jnp.maximum(n_pairs, 1.0)

    # torch edge cases: if negative empty -> hinge = relu(1 - positive).mean();
    # if positive empty -> hinge = relu(1 + negative).mean(); if both empty -> relu(1) = 1.0
    l_hinge = jnp.where(
        n_pairs > 0,
        pair_mean,
        jnp.where(
            (n_neg == 0) & (n_pos == 0),
            1.0,
            jnp.where(n_neg == 0, pos_calib_raw, neg_calib_raw),
        ),
    )

    loss_op = l_hinge + neg_calib + pos_calib
    return loss_op.mean()

if __name__ == "__main__":
    import jax
    _d = setup_inputs()
    print(jax.jit(kernel)(*tuple(_d.values())))

</pallas_src>

<mosaic_0001>
#map = affine_map<(d0, d1) -> (0, 0)>
module attributes {stable_mosaic.version = 14 : i64} {
  func.func @_sc_body(%arg0: i32, %arg1: i32, %arg2: memref<4096x100xf32, #tpu.memory_space<hbm>>, %arg3: memref<4096x100xi32, #tpu.memory_space<hbm>>, %arg4: memref<32x16xf32, #tpu.memory_space<hbm>>, %arg5: memref<128x100xf32, #tpu.memory_space<vmem>>, %arg6: memref<128x100xi32, #tpu.memory_space<vmem>>, %arg7: memref<16xf32, #tpu.memory_space<vmem>>) attributes {dimension_semantics = [#tpu.dimension_semantics<core_parallel>, #tpu.dimension_semantics<subcore_parallel>], iteration_bounds = array<i64: 2, 16>, scalar_prefetch = 0 : i64, scratch_operands = 3 : i64, tpu.core_type = #tpu.core_type<sc_vector_subcore>, window_params = [{transform_indices = #map}, {transform_indices = #map}, {transform_indices = #map}]} {
    %mul3A = arith.constant 2 : i32
    %mul3A_0 = arith.muli %arg1, %mul3A : i32
    %add3A = arith.addi %mul3A_0, %arg0 : i32
    %mul3A_1 = arith.constant 128 : i32
    %mul3A_2 = arith.muli %add3A, %mul3A_1 : i32
    "tpu.region"() ({
      %run_scoped3A = tpu.sem_alloc : memref<!tpu.dma_semaphore, #tpu.memory_space<semaphore_mem>>
      %dma_start3A = arith.constant 0 : i32
      %dma_start3A_15 = tpu.memref_slice %arg2[%mul3A_2, %dma_start3A] : memref<4096x100xf32, #tpu.memory_space<hbm>> -> memref<128x100xf32, #tpu.memory_space<hbm>>
      %dma_start3A_16 = arith.constant 0 : i32
      %dma_start3A_17 = tpu.memref_slice %arg2[%mul3A_2, %dma_start3A_16] : memref<4096x100xf32, #tpu.memory_space<hbm>> -> memref<128x100xf32, #tpu.memory_space<hbm>>
      tpu.enqueue_dma source(%dma_start3A_17 : memref<128x100xf32, #tpu.memory_space<hbm>>) target(%arg5 : memref<128x100xf32, #tpu.memory_space<vmem>>) target_semaphore(%run_scoped3A : memref<!tpu.dma_semaphore, #tpu.memory_space<semaphore_mem>>)
      %dma_wait3A = arith.constant 0 : i32
      %dma_wait3A_18 = tpu.memref_slice %arg2[%mul3A_2, %dma_wait3A] : memref<4096x100xf32, #tpu.memory_space<hbm>> -> memref<128x100xf32, #tpu.memory_space<hbm>>
      %dma_wait3A_19 = arith.constant 0 : i32
      %dma_wait3A_20 = tpu.memref_slice %arg2[%mul3A_2, %dma_wait3A_19] : memref<4096x100xf32, #tpu.memory_space<hbm>> -> memref<128x100xf32, #tpu.memory_space<hbm>>
      tpu.wait_dma2 semaphore(%run_scoped3A : memref<!tpu.dma_semaphore, #tpu.memory_space<semaphore_mem>>) src(%dma_wait3A_20 : memref<128x100xf32, #tpu.memory_space<hbm>>) dst(%arg5 : memref<128x100xf32, #tpu.memory_space<vmem>>)
      tpu.yield
    }) : () -> ()
    "tpu.region"() ({
      %run_scoped3A = tpu.sem_alloc : memref<!tpu.dma_semaphore, #tpu.memory_space<semaphore_mem>>
      %dma_start3A = arith.constant 0 : i32
      %dma_start3A_15 = tpu.memref_slice %arg3[%mul3A_2, %dma_start3A] : memref<4096x100xi32, #tpu.memory_space<hbm>> -> memref<128x100xi32, #tpu.memory_space<hbm>>
      %dma_start3A_16 = arith.constant 0 : i32
      %dma_start3A_17 = tpu.memref_slice %arg3[%mul3A_2, %dma_start3A_16] : memref<4096x100xi32, #tpu.memory_space<hbm>> -> memref<128x100xi32, #tpu.memory_space<hbm>>
      tpu.enqueue_dma source(%dma_start3A_17 : memref<128x100xi32, #tpu.memory_space<hbm>>) target(%arg6 : memref<128x100xi32, #tpu.memory_space<vmem>>) target_semaphore(%run_scoped3A : memref<!tpu.dma_semaphore, #tpu.memory_space<semaphore_mem>>)
      %dma_wait3A = arith.constant 0 : i32
      %dma_wait3A_18 = tpu.memref_slice %arg3[%mul3A_2, %dma_wait3A] : memref<4096x100xi32, #tpu.memory_space<hbm>> -> memref<128x100xi32, #tpu.memory_space<hbm>>
      %dma_wait3A_19 = arith.constant 0 : i32
      %dma_wait3A_20 = tpu.memref_slice %arg3[%mul3A_2, %dma_wait3A_19] : memref<4096x100xi32, #tpu.memory_space<hbm>> -> memref<128x100xi32, #tpu.memory_space<hbm>>
      tpu.wait_dma2 semaphore(%run_scoped3A : memref<!tpu.dma_semaphore, #tpu.memory_space<semaphore_mem>>) src(%dma_wait3A_20 : memref<128x100xi32, #tpu.memory_space<hbm>>) dst(%arg6 : memref<128x100xi32, #tpu.memory_space<vmem>>)
      tpu.yield
    }) : () -> ()
    %iota3A = tpu.iota {dimensions = array<i32: 0>} : vector<16xi32>
    %scan3A = arith.constant 0.000000e+00 : f32
    %scan3A_3 = arith.constant 0 : i32
    %scan3A_4 = arith.constant 128 : i32
    %scan3A_5 = arith.addi %scan3A_3, %scan3A_4 : i32
    %scan3A_6 = arith.constant 1 : i32
    %scan3A_7 = scf.for %scan3A_15 = %scan3A_3 to %scan3A_5 step %scan3A_6 iter_args(%scan3A_16 = %scan3A) -> (f32)  : i32 {
      %get3A = arith.index_cast %scan3A_15 : i32 to index
      %get3A_17 = arith.constant 0 : index
      %get3A_18 = tpu.vector_load %arg5[%get3A, %get3A_17] {strides = array<i32>} : memref<128x100xf32, #tpu.memory_space<vmem>>, vector<1x16xf32>,
      %get3A_19 = vector.shape_cast %get3A_18 : vector<1x16xf32> to vector<16xf32>
      %slice3A = vector.extract_strided_slice %get3A_19 {offsets = [0], sizes = [1], strides = [1]} : vector<16xf32> to vector<1xf32>
      %squeeze3A = vector.extract %slice3A[0] : f32 from vector<1xf32>
      %add3A_20 = arith.addf %scan3A_16, %squeeze3A : f32
      scf.yield %add3A_20 : f32
    }
    %scan3A_8 = arith.constant 128 : i32
    %lt3A = arith.constant 0 : i32
    %lt3A_9 = vector.broadcast %lt3A : i32 to vector<16xi32>
    %lt3A_10 = arith.cmpi slt, %iota3A, %lt3A_9 : vector<16xi32>
    %jit3A = arith.constant 0.000000e+00 : f32
    %broadcast_in_dim3A = vector.broadcast %scan3A_7 : f32 to vector<16xf32>
    %broadcast_in_dim3A_11 = vector.broadcast %jit3A : f32 to vector<16xf32>
    %select_n3A = arith.select %lt3A_10, %broadcast_in_dim3A, %broadcast_in_dim3A_11 : vector<16xi1>, vector<16xf32>
    %swap3A = arith.constant 0 : index
    %swap3A_12 = tpu.vector_load %arg7[%swap3A] {strides = array<i32>} : memref<16xf32, #tpu.memory_space<vmem>>, vector<16xf32>,
    %swap3A_13 = vector.shape_cast %swap3A_12 : vector<16xf32> to vector<16xf32>
    %swap3A_14 = vector.shape_cast %select_n3A : vector<16xf32> to vector<16xf32>
    tpu.vector_store %arg7[%swap3A], %swap3A_14 {strides = array<i32>} : memref<16xf32, #tpu.memory_space<vmem>>, vector<16xf32>,
    "tpu.region"() ({
      %run_scoped3A = tpu.sem_alloc : memref<!tpu.dma_semaphore, #tpu.memory_space<semaphore_mem>>
      %dma_start3A = arith.constant 0 : i32
      %dma_start3A_15 = tpu.memref_slice %arg4[%add3A, %dma_start3A] : memref<32x16xf32, #tpu.memory_space<hbm>> -> memref<1x16xf32, #tpu.memory_space<hbm>>
      %dma_start3A_16 = tpu.memref_squeeze %dma_start3A_15 : memref<1x16xf32, #tpu.memory_space<hbm>> -> memref<16xf32, #tpu.memory_space<hbm>>
      %dma_start3A_17 = arith.constant 0 : i32
      %dma_start3A_18 = tpu.memref_slice %arg4[%add3A, %dma_start3A_17] : memref<32x16xf32, #tpu.memory_space<hbm>> -> memref<1x16xf32, #tpu.memory_space<hbm>>
      %dma_start3A_19 = tpu.memref_squeeze %dma_start3A_18 : memref<1x16xf32, #tpu.memory_space<hbm>> -> memref<16xf32, #tpu.memory_space<hbm>>
      tpu.enqueue_dma source(%arg7 : memref<16xf32, #tpu.memory_space<vmem>>) target(%dma_start3A_19 : memref<16xf32, #tpu.memory_space<hbm>>) target_semaphore(%run_scoped3A : memref<!tpu.dma_semaphore, #tpu.memory_space<semaphore_mem>>)
      %dma_wait3A = arith.constant 0 : i32
      %dma_wait3A_20 = tpu.memref_slice %arg4[%add3A, %dma_wait3A] : memref<32x16xf32, #tpu.memory_space<hbm>> -> memref<1x16xf32, #tpu.memory_space<hbm>>
      %dma_wait3A_21 = tpu.memref_squeeze %dma_wait3A_20 : memref<1x16xf32, #tpu.memory_space<hbm>> -> memref<16xf32, #tpu.memory_space<hbm>>
      %dma_wait3A_22 = arith.constant 0 : i32
      %dma_wait3A_23 = tpu.memref_slice %arg4[%add3A, %dma_wait3A_22] : memref<32x16xf32, #tpu.memory_space<hbm>> -> memref<1x16xf32, #tpu.memory_space<hbm>>
      %dma_wait3A_24 = tpu.memref_squeeze %dma_wait3A_23 : memref<1x16xf32, #tpu.memory_space<hbm>> -> memref<16xf32, #tpu.memory_space<hbm>>
      tpu.wait_dma2 semaphore(%run_scoped3A : memref<!tpu.dma_semaphore, #tpu.memory_space<semaphore_mem>>) src(%arg7 : memref<16xf32, #tpu.memory_space<vmem>>) dst(%dma_wait3A_24 : memref<16xf32, #tpu.memory_space<hbm>>)
      tpu.yield
    }) : () -> ()
    return
  }
}

module attributes {stable_mosaic.version = 14 : i64} {
  func.func @_tc_body(%arg0: i32, %arg1: memref<100x128xf32, #tpu.memory_space<vmem>>, %arg2: memref<100x128xi32, #tpu.memory_space<vmem>>, %arg3: memref<1xf32, #tpu.memory_space<smem>>, %arg4: memref<1xf32, #tpu.memory_space<smem>>) attributes {dimension_semantics = [#tpu.dimension_semantics<arbitrary>], iteration_bounds = array<i64: 32>, scalar_prefetch = 0 : i64, scratch_operands = 1 : i64, tpu.core_type = #tpu.core_type<tc>, window_params = [{transform_indices = @transform_0, window_bounds = array<i64: 100, 128>}, {transform_indices = @transform_1, window_bounds = array<i64: 100, 128>}, {transform_indices = @transform_2, window_bounds = array<i64: 1>}]} {
    %get3A = arith.constant 0 : index
    %get3A_0 = arith.constant 0 : index
    %get3A_1 = vector.load %arg1[%get3A, %get3A_0] : memref<100x128xf32, #tpu.memory_space<vmem>>, vector<100x128xf32>
    %get3A_2 = arith.constant 0 : index
    %get3A_3 = arith.constant 0 : index
    %get3A_4 = vector.load %arg2[%get3A_2, %get3A_3] : memref<100x128xi32, #tpu.memory_space<vmem>>, vector<100x128xi32>
    %eq3A = arith.constant 1 : i32
    %eq3A_5 = vector.broadcast %eq3A : i32 to vector<100x128xi32>
    %eq3A_6 = arith.cmpi eq, %get3A_4, %eq3A_5 : vector<100x128xi32>
    %convert_element_type3A = arith.extui %eq3A_6 : vector<100x128xi1> to vector<100x128xi32>
    %convert_element_type3A_7 = arith.sitofp %convert_element_type3A : vector<100x128xi32> to vector<100x128xf32>
    %reduce_sum3A = arith.constant dense<0.000000e+00> : vector<128xf32>
    %reduce_sum3A_8 = vector.multi_reduction <add>, %convert_element_type3A_7, %reduce_sum3A [0] : vector<100x128xf32> to vector<128xf32>
    %broadcast_in_dim3A = vector.shape_cast %reduce_sum3A_8 : vector<128xf32> to vector<1x128xf32>
    %sub3A = arith.constant 1.000000e+02 : f32
    %sub3A_9 = vector.broadcast %sub3A : f32 to vector<1x128xf32>
    %sub3A_10 = arith.subf %sub3A_9, %broadcast_in_dim3A : vector<1x128xf32>
    %add3A = arith.constant 1.000000e+00 : f32
    %add3A_11 = vector.broadcast %add3A : f32 to vector<100x128xf32>
    %add3A_12 = arith.addf %add3A_11, %get3A_1 : vector<100x128xf32>
    %jit3A = arith.constant -1.000000e+30 : f32
    %broadcast_in_dim3A_13 = vector.broadcast %jit3A : f32 to vector<100x128xf32>
    %select_n3A = arith.select %eq3A_6, %broadcast_in_dim3A_13, %add3A_12 : vector<100x128xi1>, vector<100x128xf32>
    %sub3A_14 = arith.constant 1.000000e+00 : f32
    %sub3A_15 = vector.broadcast %sub3A_14 : f32 to vector<100x128xf32>
    %sub3A_16 = arith.subf %sub3A_15, %get3A_1 : vector<100x128xf32>
    %jit3A_17 = arith.constant -1.000000e+30 : f32
    %broadcast_in_dim3A_18 = vector.broadcast %jit3A_17 : f32 to vector<100x128xf32>
    %select_n3A_19 = arith.select %eq3A_6, %sub3A_16, %broadcast_in_dim3A_18 : vector<100x128xi1>, vector<100x128xf32>
    %max3A = arith.constant 0.000000e+00 : f32
    %max3A_20 = vector.broadcast %max3A : f32 to vector<100x128xf32>
    %max3A_21 = arith.maximumf %select_n3A, %max3A_20 : vector<100x128xf32>
    %reduce_sum3A_22 = arith.constant dense<0.000000e+00> : vector<128xf32>
    %reduce_sum3A_23 = vector.multi_reduction <add>, %max3A_21, %reduce_sum3A_22 [0] : vector<100x128xf32> to vector<128xf32>
    %broadcast_in_dim3A_24 = vector.shape_cast %reduce_sum3A_23 : vector<128xf32> to vector<1x128xf32>
    %max3A_25 = arith.constant 0.000000e+00 : f32
    %max3A_26 = vector.broadcast %max3A_25 : f32 to vector<100x128xf32>
    %max3A_27 = arith.maximumf %select_n3A_19, %max3A_26 : vector<100x128xf32>
    %reduce_sum3A_28 = arith.constant dense<0.000000e+00> : vector<128xf32>
    %reduce_sum3A_29 = vector.multi_reduction <add>, %max3A_27, %reduce_sum3A_28 [0] : vector<100x128xf32> to vector<128xf32>
    %broadcast_in_dim3A_30 = vector.shape_cast %reduce_sum3A_29 : vector<128xf32> to vector<1x128xf32>
    %max3A_31 = arith.constant 1.000000e+00 : f32
    %max3A_32 = vector.broadcast %max3A_31 : f32 to vector<1x128xf32>
    %max3A_33 = arith.maximumf %sub3A_10, %max3A_32 : vector<1x128xf32>
    %div3A = arith.divf %broadcast_in_dim3A_24, %max3A_33 : vector<1x128xf32>
    %max3A_34 = arith.constant 1.000000e+00 : f32
    %max3A_35 = vector.broadcast %max3A_34 : f32 to vector<1x128xf32>
    %max3A_36 = arith.maximumf %broadcast_in_dim3A, %max3A_35 : vector<1x128xf32>
    %div3A_37 = arith.divf %broadcast_in_dim3A_30, %max3A_36 : vector<1x128xf32>
    %gt3A = arith.constant 0.000000e+00 : f32
    %gt3A_38 = vector.broadcast %gt3A : f32 to vector<1x128xf32>
    %gt3A_39 = arith.cmpf ogt, %sub3A_10, %gt3A_38 : vector<1x128xf32>
    %jit3A_40 = arith.constant 0.000000e+00 : f32
    %broadcast_in_dim3A_41 = vector.broadcast %jit3A_40 : f32 to vector<1x128xf32>
    %select_n3A_42 = arith.select %gt3A_39, %div3A, %broadcast_in_dim3A_41 : vector<1x128xi1>, vector<1x128xf32>
    %gt3A_43 = arith.constant 0.000000e+00 : f32
    %gt3A_44 = vector.broadcast %gt3A_43 : f32 to vector<1x128xf32>
    %gt3A_45 = arith.cmpf ogt, %broadcast_in_dim3A, %gt3A_44 : vector<1x128xf32>
    %jit3A_46 = arith.constant 0.000000e+00 : f32
    %broadcast_in_dim3A_47 = vector.broadcast %jit3A_46 : f32 to vector<1x128xf32>
    %select_n3A_48 = arith.select %gt3A_45, %div3A_37, %broadcast_in_dim3A_47 : vector<1x128xi1>, vector<1x128xf32>
    %convert_element_type3A_49 = arith.truncf %get3A_1 : vector<100x128xf32> to vector<100x128xbf16>
    %add3A_50 = arith.constant 1.000000e+00 : bf16
    %add3A_51 = vector.broadcast %add3A_50 : bf16 to vector<100x128xbf16>
    %add3A_52 = arith.addf %add3A_51, %convert_element_type3A_49 : vector<100x128xbf16>
    %jit3A_53 = arith.constant -1.000260e+30 : bf16
    %broadcast_in_dim3A_54 = vector.broadcast %jit3A_53 : bf16 to vector<100x128xbf16>
    %select_n3A_55 = arith.select %eq3A_6, %broadcast_in_dim3A_54, %add3A_52 : vector<100x128xi1>, vector<100x128xbf16>
    %slice3A = vector.extract_strided_slice %select_n3A_55 {offsets = [0, 0], sizes = [1, 128], strides = [1, 1]} : vector<100x128xbf16> to vector<1x128xbf16>
    %sub3A_56 = vector.broadcast %slice3A : vector<1x128xbf16> to vector<100x128xbf16>
    %sub3A_57 = arith.subf %sub3A_56, %convert_element_type3A_49 : vector<100x128xbf16>
    %max3A_58 = arith.constant 0.000000e+00 : bf16
    %max3A_59 = vector.broadcast %max3A_58 : bf16 to vector<100x128xbf16>
    %max3A_60 = arith.maximumf %sub3A_57, %max3A_59 : vector<100x128xbf16>
    %slice3A_61 = vector.extract_strided_slice %select_n3A_55 {offsets = [1, 0], sizes = [1, 128], strides = [1, 1]} : vector<100x128xbf16> to vector<1x128xbf16>
    %sub3A_62 = vector.broadcast %slice3A_61 : vector<1x128xbf16> to vector<100x128xbf16>
    %sub3A_63 = arith.subf %sub3A_62, %convert_element_type3A_49 : vector<100x128xbf16>
    %max3A_64 = arith.constant 0.000000e+00 : bf16
    %max3A_65 = vector.broadcast %max3A_64 : bf16 to vector<100x128xbf16>
    %max3A_66 = arith.maximumf %sub3A_63, %max3A_65 : vector<100x128xbf16>
    %slice3A_67 = vector.extract_strided_slice %select_n3A_55 {offsets = [2, 0], sizes = [1, 128], strides = [1, 1]} : vector<100x128xbf16> to vector<1x128xbf16>
    %sub3A_68 = vector.broadcast %slice3A_67 : vector<1x128xbf16> to vector<100x128xbf16>
    %sub3A_69 = arith.subf %sub3A_68, %convert_element_type3A_49 : vector<100x128xbf16>
    %max3A_70 = arith.constant 0.000000e+00 : bf16
    %max3A_71 = vector.broadcast %max3A_70 : bf16 to vector<100x128xbf16>
    %max3A_72 = arith.maximumf %sub3A_69, %max3A_71 : vector<100x128xbf16>
    %add3A_73 = arith.addf %max3A_60, %max3A_72 : vector<100x128xbf16>
    %slice3A_74 = vector.extract_strided_slice %select_n3A_55 {offsets = [3, 0], sizes = [1, 128], strides = [1, 1]} : vector<100x128xbf16> to vector<1x128xbf16>
    %sub3A_75 = vector.broadcast %slice3A_74 : vector<1x128xbf16> to vector<100x128xbf16>
    %sub3A_76 = arith.subf %sub3A_75, %convert_element_type3A_49 : vector<100x128xbf16>
    %max3A_77 = arith.constant 0.000000e+00 : bf16
    %max3A_78 = vector.broadcast %max3A_77 : bf16 to vector<100x128xbf16>
    %max3A_79 = arith.maximumf %sub3A_76, %max3A_78 : vector<100x128xbf16>
    %add3A_80 = arith.addf %max3A_66, %max3A_79 : vector<100x128xbf16>
    %slice3A_81 = vector.extract_strided_slice %select_n3A_55 {offsets = [4, 0], sizes = [1, 128], strides = [1, 1]} : vector<100x128xbf16> to vector<1x128xbf16>
    %sub3A_82 = vector.broadcast %slice3A_81 : vector<1x128xbf16> to vector<100x128xbf16>
    %sub3A_83 = arith.subf %sub3A_82, %convert_element_type3A_49 : vector<100x128xbf16>
    %max3A_84 = arith.constant 0.000000e+00 : bf16
    %max3A_85 = vector.broadcast %max3A_84 : bf16 to vector<100x128xbf16>
    %max3A_86 = arith.maximumf %sub3A_83, %max3A_85 : vector<100x128xbf16>
    %add3A_87 = arith.addf %add3A_73, %max3A_86 : vector<100x128xbf16>
    %slice3A_88 = vector.extract_strided_slice %select_n3A_55 {offsets = [5, 0], sizes = [1, 128], strides = [1, 1]} : vector<100x128xbf16> to vector<1x128xbf16>
    %sub3A_89 = vector.broadcast %slice3A_88 : vector<1x128xbf16> to vector<100x128xbf16>
    %sub3A_90 = arith.subf %sub3A_89, %convert_element_type3A_49 : vector<100x128xbf16>
    %max3A_91 = arith.constant 0.000000e+00 : bf16
    %max3A_92 = vector.broadcast %max3A_91 : bf16 to vector<100x128xbf16>
    %max3A_93 = arith.maximumf %sub3A_90, %max3A_92 : vector<100x128xbf16>
    %add3A_94 = arith.addf %add3A_80, %max3A_93 : vector<100x128xbf16>
    %slice3A_95 = vector.extract_strided_slice %select_n3A_55 {offsets = [6, 0], sizes = [1, 128], strides = [1, 1]} : vector<100x128xbf16> to vector<1x128xbf16>
    %sub3A_96 = vector.broadcast %slice3A_95 : vector<1x128xbf16> to vector<100x128xbf16>
    %sub3A_97 = arith.subf %sub3A_96, %convert_element_type3A_49 : vector<100x128xbf16>
    %max3A_98 = arith.constant 0.000000e+00 : bf16
    %max3A_99 = vector.broadcast %max3A_98 : bf16 to vector<100x128xbf16>
    %max3A_100 = arith.maximumf %sub3A_97, %max3A_99 : vector<100x128xbf16>
    %add3A_101 = arith.addf %add3A_87, %max3A_100 : vector<100x128xbf16>
    %slice3A_102 = vector.extract_strided_slice %select_n3A_55 {offsets = [7, 0], sizes = [1, 128], strides = [1, 1]} : vector<100x128xbf16> to vector<1x128xbf16>
    %sub3A_103 = vector.broadcast %slice3A_102 : vector<1x128xbf16> to vector<100x128xbf16>
    %sub3A_104 = arith.subf %sub3A_103, %convert_element_type3A_49 : vector<100x128xbf16>
    %max3A_105 = arith.constant 0.000000e+00 : bf16
    %max3A_106 = vector.broadcast %max3A_105 : bf16 to vector<100x128xbf16>
    %max3A_107 = arith.maximumf %sub3A_104, %max3A_106 : vector<100x128xbf16>
    %add3A_108 = arith.addf %add3A_94, %max3A_107 : vector<100x128xbf16>
    %slice3A_109 = vector.extract_strided_slice %select_n3A_55 {offsets = [8, 0], sizes = [1, 128], strides = [1, 1]} : vector<100x128xbf16> to vector<1x128xbf16>
    %sub3A_110 = vector.broadcast %slice3A_109 : vector<1x128xbf16> to vector<100x128xbf16>
    %sub3A_111 = arith.subf %sub3A_110, %convert_element_type3A_49 : vector<100x128xbf16>
    %max3A_112 = arith.constant 0.000000e+00 : bf16
    %max3A_113 = vector.broadcast %max3A_112 : bf16 to vector<100x128xbf16>
    %max3A_114 = arith.maximumf %sub3A_111, %max3A_113 : vector<100x128xbf16>
    %add3A_115 = arith.addf %add3A_101, %max3A_114 : vector<100x128xbf16>
    %slice3A_116 = vector.extract_strided_slice %select_n3A_55 {offsets = [9, 0], sizes = [1, 128], strides = [1, 1]} : vector<100x128xbf16> to vector<1x128xbf16>
    %sub3A_117 = vector.broadcast %slice3A_116 : vector<1x128xbf16> to vector<100x128xbf16>
    %sub3A_118 = arith.subf %sub3A_117, %convert_element_type3A_49 : vector<100x128xbf16>
    %max3A_119 = arith.constant 0.000000e+00 : bf16
    %max3A_120 = vector.broadcast %max3A_119 : bf16 to vector<100x128xbf16>
    %max3A_121 = arith.maximumf %sub3A_118, %max3A_120 : vector<100x128xbf16>
    %add3A_122 = arith.addf %add3A_108, %max3A_121 : vector<100x128xbf16>
    %slice3A_123 = vector.extract_strided_slice %select_n3A_55 {offsets = [10, 0], sizes = [1, 128], strides = [1, 1]} : vector<100x128xbf16> to vector<1x128xbf16>
    %sub3A_124 = vector.broadcast %slice3A_123 : vector<1x128xbf16> to vector<100x128xbf16>
    %sub3A_125 = arith.subf %sub3A_124, %convert_element_type3A_49 : vector<100x128xbf16>
    %max3A_126 = arith.constant 0.000000e+00 : bf16
    %max3A_127 = vector.broadcast %max3A_126 : bf16 to vector<100x128xbf16>
    %max3A_128 = arith.maximumf %sub3A_125, %max3A_127 : vector<100x128xbf16>
    %add3A_129 = arith.addf %add3A_115, %max3A_128 : vector<100x128xbf16>
    %slice3A_130 = vector.extract_strided_slice %select_n3A_55 {offsets = [11, 0], sizes = [1, 128], strides = [1, 1]} : vector<100x128xbf16> to vector<1x128xbf16>
    %sub3A_131 = vector.broadcast %slice3A_130 : vector<1x128xbf16> to vector<100x128xbf16>
    %sub3A_132 = arith.subf %sub3A_131, %convert_element_type3A_49 : vector<100x128xbf16>
    %max3A_133 = arith.constant 0.000000e+00 : bf16
    %max3A_134 = vector.broadcast %max3A_133 : bf16 to vector<100x128xbf16>
    %max3A_135 = arith.maximumf %sub3A_132, %max3A_134 : vector<100x128xbf16>
    %add3A_136 = arith.addf %add3A_122, %max3A_135 : vector<100x128xbf16>
    %slice3A_137 = vector.extract_strided_slice %select_n3A_55 {offsets = [12, 0], sizes = [1, 128], strides = [1, 1]} : vector<100x128xbf16> to vector<1x128xbf16>
    %sub3A_138 = vector.broadcast %slice3A_137 : vector<1x128xbf16> to vector<100x128xbf16>
    %sub3A_139 = arith.subf %sub3A_138, %convert_element_type3A_49 : vector<100x128xbf16>
    %max3A_140 = arith.constant 0.000000e+00 : bf16
    %max3A_141 = vector.broadcast %max3A_140 : bf16 to vector<100x128xbf16>
    %max3A_142 = arith.maximumf %sub3A_139, %max3A_141 : vector<100x128xbf16>
    %add3A_143 = arith.addf %add3A_129, %max3A_142 : vector<100x128xbf16>
    %slice3A_144 = vector.extract_strided_slice %select_n3A_55 {offsets = [13, 0], sizes = [1, 128], strides = [1, 1]} : vector<100x128xbf16> to vector<1x128xbf16>
    %sub3A_145 = vector.broadcast %slice3A_144 : vector<1x128xbf16> to vector<100x128xbf16>
    %sub3A_146 = arith.subf %sub3A_145, %convert_element_type3A_49 : vector<100x128xbf16>
    %max3A_147 = arith.constant 0.000000e+00 : bf16
    %max3A_148 = vector.broadcast %max3A_147 : bf16 to vector<100x128xbf16>
    %max3A_149 = arith.maximumf %sub3A_146, %max3A_148 : vector<100x128xbf16>
    %add3A_150 = arith.addf %add3A_136, %max3A_149 : vector<100x128xbf16>
    %slice3A_151 = vector.extract_strided_slice %select_n3A_55 {offsets = [14, 0], sizes = [1, 128], strides = [1, 1]} : vector<100x128xbf16> to vector<1x128xbf16>
    %sub3A_152 = vector.broadcast %slice3A_151 : vector<1x128xbf16> to vector<100x128xbf16>
    %sub3A_153 = arith.subf %sub3A_152, %convert_element_type3A_49 : vector<100x128xbf16>
    %max3A_154 = arith.constant 0.000000e+00 : bf16
    %max3A_155 = vector.broadcast %max3A_154 : bf16 to vector<100x128xbf16>
    %max3A_156 = arith.maximumf %sub3A_153, %max3A_155 : vector<100x128xbf16>
    %add3A_157 = arith.addf %add3A_143, %max3A_156 : vector<100x128xbf16>
    %slice3A_158 = vector.extract_strided_slice %select_n3A_55 {offsets = [15, 0], sizes = [1, 128], strides = [1, 1]} : vector<100x128xbf16> to vector<1x128xbf16>
    %sub3A_159 = vector.broadcast %slice3A_158 : vector<1x128xbf16> to vector<100x128xbf16>
    %sub3A_160 = arith.subf %sub3A_159, %convert_element_type3A_49 : vector<100x128xbf16>
    %max3A_161 = arith.constant 0.000000e+00 : bf16
    %max3A_162 = vector.broadcast %max3A_161 : bf16 to vector<100x128xbf16>
    %max3A_163 = arith.maximumf %sub3A_160, %max3A_162 : vector<100x128xbf16>
    %add3A_164 = arith.addf %add3A_150, %max3A_163 : vector<100x128xbf16>
    %slice3A_165 = vector.extract_strided_slice %select_n3A_55 {offsets = [16, 0], sizes = [1, 128], strides = [1, 1]} : vector<100x128xbf16> to vector<1x128xbf16>
    %sub3A_166 = vector.broadcast %slice3A_165 : vector<1x128xbf16> to vector<100x128xbf16>
    %sub3A_167 = arith.subf %sub3A_166, %convert_element_type3A_49 : vector<100x128xbf16>
    %max3A_168 = arith.constant 0.000000e+00 : bf16
    %max3A_169 = vector.broadcast %max3A_168 : bf16 to vector<100x128xbf16>
    %max3A_170 = arith.maximumf %sub3A_167, %max3A_169 : vector<100x128xbf16>
    %add3A_171 = arith.addf %add3A_157, %max3A_170 : vector<100x128xbf16>
    %slice3A_172 = vector.extract_strided_slice %select_n3A_55 {offsets = [17, 0], sizes = [1, 128], strides = [1, 1]} : vector<100x128xbf16> to vector<1x128xbf16>
    %sub3A_173 = vector.broadcast %slice3A_172 : vector<1x128xbf16> to vector<100x128xbf16>
    %sub3A_174 = arith.subf %sub3A_173, %convert_element_type3A_49 : vector<100x128xbf16>
    %max3A_175 = arith.constant 0.000000e+00 : bf16
    %max3A_176 = vector.broadcast %max3A_175 : bf16 to vector<100x128xbf16>
    %max3A_177 = arith.maximumf %sub3A_174, %max3A_176 : vector<100x128xbf16>
    %add3A_178 = arith.addf %add3A_164, %max3A_177 : vector<100x128xbf16>
    %slice3A_179 = vector.extract_strided_slice %select_n3A_55 {offsets = [18, 0], sizes = [1, 128], strides = [1, 1]} : vector<100x128xbf16> to vector<1x128xbf16>
    %sub3A_180 = vector.broadcast %slice3A_179 : vector<1x128xbf16> to vector<100x128xbf16>
    %sub3A_181 = arith.subf %sub3A_180, %convert_element_type3A_49 : vector<100x128xbf16>
    %max3A_182 = arith.constant 0.000000e+00 : bf16
    %max3A_183 = vector.broadcast %max3A_182 : bf16 to vector<100x128xbf16>
    %max3A_184 = arith.maximumf %sub3A_181, %max3A_183 : vector<100x128xbf16>
    %add3A_185 = arith.addf %add3A_171, %max3A_184 : vector<100x128xbf16>
    %slice3A_186 = vector.extract_strided_slice %select_n3A_55 {offsets = [19, 0], sizes = [1, 128], strides = [1, 1]} : vector<100x128xbf16> to vector<1x128xbf16>
    %sub3A_187 = vector.broadcast %slice3A_186 : vector<1x128xbf16> to vector<100x128xbf16>
    %sub3A_188 = arith.subf %sub3A_187, %convert_element_type3A_49 : vector<100x128xbf16>
    %max3A_189 = arith.constant 0.000000e+00 : bf16
    %max3A_190 = vector.broadcast %max3A_189 : bf16 to vector<100x128xbf16>
    %max3A_191 = arith.maximumf %sub3A_188, %max3A_190 : vector<100x128xbf16>
    %add3A_192 = arith.addf %add3A_178, %max3A_191 : vector<100x128xbf16>
    %slice3A_193 = vector.extract_strided_slice %select_n3A_55 {offsets = [20, 0], sizes = [1, 128], strides = [1, 1]} : vector<100x128xbf16> to vector<1x128xbf16>
    %sub3A_194 = vector.broadcast %slice3A_193 : vector<1x128xbf16> to vector<100x128xbf16>
    %sub3A_195 = arith.subf %sub3A_194, %convert_element_type3A_49 : vector<100x128xbf16>
    %max3A_196 = arith.constant 0.000000e+00 : bf16
    %max3A_197 = vector.broadcast %max3A_196 : bf16 to vector<100x128xbf16>
    %max3A_198 = arith.maximumf %sub3A_195, %max3A_197 : vector<100x128xbf16>
    %add3A_199 = arith.addf %add3A_185, %max3A_198 : vector<100x128xbf16>
    %slice3A_200 = vector.extract_strided_slice %select_n3A_55 {offsets = [21, 0], sizes = [1, 128], strides = [1, 1]} : vector<100x128xbf16> to vector<1x128xbf16>
    %sub3A_201 = vector.broadcast %slice3A_200 : vector<1x128xbf16> to vector<100x128xbf16>
    %sub3A_202 = arith.subf %sub3A_201, %convert_element_type3A_49 : vector<100x128xbf16>
    %max3A_203 = arith.constant 0.000000e+00 : bf16
    %max3A_204 = vector.broadcast %max3A_203 : bf16 to vector<100x128xbf16>
    %max3A_205 = arith.maximumf %sub3A_202, %max3A_204 : vector<100x128xbf16>
    %add3A_206 = arith.addf %add3A_192, %max3A_205 : vector<100x128xbf16>
    %slice3A_207 = vector.extract_strided_slice %select_n3A_55 {offsets = [22, 0], sizes = [1, 128], strides = [1, 1]} : vector<100x128xbf16> to vector<1x128xbf16>
    %sub3A_208 = vector.broadcast %slice3A_207 : vector<1x128xbf16> to vector<100x128xbf16>
    %sub3A_209 = arith.subf %sub3A_208, %convert_element_type3A_49 : vector<100x128xbf16>
    %max3A_210 = arith.constant 0.000000e+00 : bf16
    %max3A_211 = vector.broadcast %max3A_210 : bf16 to vector<100x128xbf16>
    %max3A_212 = arith.maximumf %sub3A_209, %max3A_211 : vector<100x128xbf16>
    %add3A_213 = arith.addf %add3A_199, %max3A_212 : vector<100x128xbf16>
    %slice3A_214 = vector.extract_strided_slice %select_n3A_55 {offsets = [23, 0], sizes = [1, 128], strides = [1, 1]} : vector<100x128xbf16> to vector<1x128xbf16>
    %sub3A_215 = vector.broadcast %slice3A_214 : vector<1x128xbf16> to vector<100x128xbf16>
    %sub3A_216 = arith.subf %sub3A_215, %convert_element_type3A_49 : vector<100x128xbf16>
    %max3A_217 = arith.constant 0.000000e+00 : bf16
    %max3A_218 = vector.broadcast %max3A_217 : bf16 to vector<100x128xbf16>
    %max3A_219 = arith.maximumf %sub3A_216, %max3A_218 : vector<100x128xbf16>
    %add3A_220 = arith.addf %add3A_206, %max3A_219 : vector<100x128xbf16>
    %slice3A_221 = vector.extract_strided_slice %select_n3A_55 {offsets = [24, 0], sizes = [1, 128], strides = [1, 1]} : vector<100x128xbf16> to vector<1x128xbf16>
    %sub3A_222 = vector.broadcast %slice3A_221 : vector<1x128xbf16> to vector<100x128xbf16>
    %sub3A_223 = arith.subf %sub3A_222, %convert_element_type3A_49 : vector<100x128xbf16>
    %max3A_224 = arith.constant 0.000000e+00 : bf16
    %max3A_225 = vector.broadcast %max3A_224 : bf16 to vector<100x128xbf16>
    %max3A_226 = arith.maximumf %sub3A_223, %max3A_225 : vector<100x128xbf16>
    %add3A_227 = arith.addf %add3A_213, %max3A_226 : vector<100x128xbf16>
    %slice3A_228 = vector.extract_strided_slice %select_n3A_55 {offsets = [25, 0], sizes = [1, 128], strides = [1, 1]} : vector<100x128xbf16> to vector<1x128xbf16>
    %sub3A_229 = vector.broadcast %slice3A_228 : vector<1x128xbf16> to vector<100x128xbf16>
    %sub3A_230 = arith.subf %sub3A_229, %convert_element_type3A_49 : vector<100x128xbf16>
    %max3A_231 = arith.constant 0.000000e+00 : bf16
    %max3A_232 = vector.broadcast %max3A_231 : bf16 to vector<100x128xbf16>
    %max3A_233 = arith.maximumf %sub3A_230, %max3A_232 : vector<100x128xbf16>
    %add3A_234 = arith.addf %add3A_220, %max3A_233 : vector<100x128xbf16>
    %slice3A_235 = vector.extract_strided_slice %select_n3A_55 {offsets = [26, 0], sizes = [1, 128], strides = [1, 1]} : vector<100x128xbf16> to vector<1x128xbf16>
    %sub3A_236 = vector.broadcast %slice3A_235 : vector<1x128xbf16> to vector<100x128xbf16>
    %sub3A_237 = arith.subf %sub3A_236, %convert_element_type3A_49 : vector<100x128xbf16>
    %max3A_238 = arith.constant 0.000000e+00 : bf16
    %max3A_239 = vector.broadcast %max3A_238 : bf16 to vector<100x128xbf16>
    %max3A_240 = arith.maximumf %sub3A_237, %max3A_239 : vector<100x128xbf16>
    %add3A_241 = arith.addf %add3A_227, %max3A_240 : vector<100x128xbf16>
    %slice3A_242 = vector.extract_strided_slice %select_n3A_55 {offsets = [27, 0], sizes = [1, 128], strides = [1, 1]} : vector<100x128xbf16> to vector<1x128xbf16>
    %sub3A_243 = vector.broadcast %slice3A_242 : vector<1x128xbf16> to vector<100x128xbf16>
    %sub3A_244 = arith.subf %sub3A_243, %convert_element_type3A_49 : vector<100x128xbf16>
    %max3A_245 = arith.constant 0.000000e+00 : bf16
    %max3A_246 = vector.broadcast %max3A_245 : bf16 to vector<100x128xbf16>
    %max3A_247 = arith.maximumf %sub3A_244, %max3A_246 : vector<100x128xbf16>
    %add3A_248 = arith.addf %add3A_234, %max3A_247 : vector<100x128xbf16>
    %slice3A_249 = vector.extract_strided_slice %select_n3A_55 {offsets = [28, 0], sizes = [1, 128], strides = [1, 1]} : vector<100x128xbf16> to vector<1x128xbf16>
    %sub3A_250 = vector.broadcast %slice3A_249 : vector<1x128xbf16> to vector<100x128xbf16>
    %sub3A_251 = arith.subf %sub3A_250, %convert_element_type3A_49 : vector<100x128xbf16>
    %max3A_252 = arith.constant 0.000000e+00 : bf16
    %max3A_253 = vector.broadcast %max3A_252 : bf16 to vector<100x128xbf16>
    %max3A_254 = arith.maximumf %sub3A_251, %max3A_253 : vector<100x128xbf16>
    %add3A_255 = arith.addf %add3A_241, %max3A_254 : vector<100x128xbf16>
    %slice3A_256 = vector.extract_strided_slice %select_n3A_55 {offsets = [29, 0], sizes = [1, 128], strides = [1, 1]} : vector<100x128xbf16> to vector<1x128xbf16>
    %sub3A_257 = vector.broadcast %slice3A_256 : vector<1x128xbf16> to vector<100x128xbf16>
    %sub3A_258 = arith.subf %sub3A_257, %convert_element_type3A_49 : vector<100x128xbf16>
    %max3A_259 = arith.constant 0.000000e+00 : bf16
    %max3A_260 = vector.broadcast %max3A_259 : bf16 to vector<100x128xbf16>
    %max3A_261 = arith.maximumf %sub3A_258, %max3A_260 : vector<100x128xbf16>
    %add3A_262 = arith.addf %add3A_248, %max3A_261 : vector<100x128xbf16>
    %slice3A_263 = vector.extract_strided_slice %select_n3A_55 {offsets = [30, 0], sizes = [1, 128], strides = [1, 1]} : vector<100x128xbf16> to vector<1x128xbf16>
    %sub3A_264 = vector.broadcast %slice3A_263 : vector<1x128xbf16> to vector<100x128xbf16>
    %sub3A_265 = arith.subf %sub3A_264, %convert_element_type3A_49 : vector<100x128xbf16>
    %max3A_266 = arith.constant 0.000000e+00 : bf16
    %max3A_267 = vector.broadcast %max3A_266 : bf16 to vector<100x128xbf16>
    %max3A_268 = arith.maximumf %sub3A_265, %max3A_267 : vector<100x128xbf16>
    %add3A_269 = arith.addf %add3A_255, %max3A_268 : vector<100x128xbf16>
    %slice3A_270 = vector.extract_strided_slice %select_n3A_55 {offsets = [31, 0], sizes = [1, 128], strides = [1, 1]} : vector<100x128xbf16> to vector<1x128xbf16>
    %sub3A_271 = vector.broadcast %slice3A_270 : vector<1x128xbf16> to vector<100x128xbf16>
    %sub3A_272 = arith.subf %sub3A_271, %convert_element_type3A_49 : vector<100x128xbf16>
    %max3A_273 = arith.constant 0.000000e+00 : bf16
    %max3A_274 = vector.broadcast %max3A_273 : bf16 to vector<100x128xbf16>
    %max3A_275 = arith.maximumf %sub3A_272, %max3A_274 : vector<100x128xbf16>
    %add3A_276 = arith.addf %add3A_262, %max3A_275 : vector<100x128xbf16>
    %slice3A_277 = vector.extract_strided_slice %select_n3A_55 {offsets = [32, 0], sizes = [1, 128], strides = [1, 1]} : vector<100x128xbf16> to vector<1x128xbf16>
    %sub3A_278 = vector.broadcast %slice3A_277 : vector<1x128xbf16> to vector<100x128xbf16>
    %sub3A_279 = arith.subf %sub3A_278, %convert_element_type3A_49 : vector<100x128xbf16>
    %max3A_280 = arith.constant 0.000000e+00 : bf16
    %max3A_281 = vector.broadcast %max3A_280 : bf16 to vector<100x128xbf16>
    %max3A_282 = arith.maximumf %sub3A_279, %max3A_281 : vector<100x128xbf16>
    %add3A_283 = arith.addf %add3A_269, %max3A_282 : vector<100x128xbf16>
    %slice3A_284 = vector.extract_strided_slice %select_n3A_55 {offsets = [33, 0], sizes = [1, 128], strides = [1, 1]} : vector<100x128xbf16> to vector<1x128xbf16>
    %sub3A_285 = vector.broadcast %slice3A_284 : vector<1x128xbf16> to vector<100x128xbf16>
    %sub3A_286 = arith.subf %sub3A_285, %convert_element_type3A_49 : vector<100x128xbf16>
    %max3A_287 = arith.constant 0.000000e+00 : bf16
    %max3A_288 = vector.broadcast %max3A_287 : bf16 to vector<100x128xbf16>
    %max3A_289 = arith.maximumf %sub3A_286, %max3A_288 : vector<100x128xbf16>
    %add3A_290 = arith.addf %add3A_276, %max3A_289 : vector<100x128xbf16>
    %slice3A_291 = vector.extract_strided_slice %select_n3A_55 {offsets = [34, 0], sizes = [1, 128], strides = [1, 1]} : vector<100x128xbf16> to vector<1x128xbf16>
    %sub3A_292 = vector.broadcast %slice3A_291 : vector<1x128xbf16> to vector<100x128xbf16>
    %sub3A_293 = arith.subf %sub3A_292, %convert_element_type3A_49 : vector<100x128xbf16>
    %max3A_294 = arith.constant 0.000000e+00 : bf16
    %max3A_295 = vector.broadcast %max3A_294 : bf16 to vector<100x128xbf16>
    %max3A_296 = arith.maximumf %sub3A_293, %max3A_295 : vector<100x128xbf16>
    %add3A_297 = arith.addf %add3A_283, %max3A_296 : vector<100x128xbf16>
    %slice3A_298 = vector.extract_strided_slice %select_n3A_55 {offsets = [35, 0], sizes = [1, 128], strides = [1, 1]} : vector<100x128xbf16> to vector<1x128xbf16>
    %sub3A_299 = vector.broadcast %slice3A_298 : vector<1x128xbf16> to vector<100x128xbf16>
    %sub3A_300 = arith.subf %sub3A_299, %convert_element_type3A_49 : vector<100x128xbf16>
    %max3A_301 = arith.constant 0.000000e+00 : bf16
    %max3A_302 = vector.broadcast %max3A_301 : bf16 to vector<100x128xbf16>
    %max3A_303 = arith.maximumf %sub3A_300, %max3A_302 : vector<100x128xbf16>
    %add3A_304 = arith.addf %add3A_290, %max3A_303 : vector<100x128xbf16>
    %slice3A_305 = vector.extract_strided_slice %select_n3A_55 {offsets = [36, 0], sizes = [1, 128], strides = [1, 1]} : vector<100x128xbf16> to vector<1x128xbf16>
    %sub3A_306 = vector.broadcast %slice3A_305 : vector<1x128xbf16> to vector<100x128xbf16>
    %sub3A_307 = arith.subf %sub3A_306, %convert_element_type3A_49 : vector<100x128xbf16>
    %max3A_308 = arith.constant 0.000000e+00 : bf16
    %max3A_309 = vector.broadcast %max3A_308 : bf16 to vector<100x128xbf16>
    %max3A_310 = arith.maximumf %sub3A_307, %max3A_309 : vector<100x128xbf16>
    %add3A_311 = arith.addf %add3A_297, %max3A_310 : vector<100x128xbf16>
    %slice3A_312 = vector.extract_strided_slice %select_n3A_55 {offsets = [37, 0], sizes = [1, 128], strides = [1, 1]} : vector<100x128xbf16> to vector<1x128xbf16>
    %sub3A_313 = vector.broadcast %slice3A_312 : vector<1x128xbf16> to vector<100x128xbf16>
    %sub3A_314 = arith.subf %sub3A_313, %convert_element_type3A_49 : vector<100x128xbf16>
    %max3A_315 = arith.constant 0.000000e+00 : bf16
    %max3A_316 = vector.broadcast %max3A_315 : bf16 to vector<100x128xbf16>
    %max3A_317 = arith.maximumf %sub3A_314, %max3A_316 : vector<100x128xbf16>
    %add3A_318 = arith.addf %add3A_304, %max3A_317 : vector<100x128xbf16>
    %slice3A_319 = vector.extract_strided_slice %select_n3A_55 {offsets = [38, 0], sizes = [1, 128], strides = [1, 1]} : vector<100x128xbf16> to vector<1x128xbf16>
    %sub3A_320 = vector.broadcast %slice3A_319 : vector<1x128xbf16> to vector<100x128xbf16>
    %sub3A_321 = arith.subf %sub3A_320, %convert_element_type3A_49 : vector<100x128xbf16>
    %max3A_322 = arith.constant 0.000000e+00 : bf16
    %max3A_323 = vector.broadcast %max3A_322 : bf16 to vector<100x128xbf16>
    %max3A_324 = arith.maximumf %sub3A_321, %max3A_323 : vector<100x128xbf16>
    %add3A_325 = arith.addf %add3A_311, %max3A_324 : vector<100x128xbf16>
    %slice3A_326 = vector.extract_strided_slice %select_n3A_55 {offsets = [39, 0], sizes = [1, 128], strides = [1, 1]} : vector<100x128xbf16> to vector<1x128xbf16>
    %sub3A_327 = vector.broadcast %slice3A_326 : vector<1x128xbf16> to vector<100x128xbf16>
    %sub3A_328 = arith.subf %sub3A_327, %convert_element_type3A_49 : vector<100x128xbf16>
    %max3A_329 = arith.constant 0.000000e+00 : bf16
    %max3A_330 = vector.broadcast %max3A_329 : bf16 to vector<100x128xbf16>
    %max3A_331 = arith.maximumf %sub3A_328, %max3A_330 : vector<100x128xbf16>
    %add3A_332 = arith.addf %add3A_318, %max3A_331 : vector<100x128xbf16>
    %slice3A_333 = vector.extract_strided_slice %select_n3A_55 {offsets = [40, 0], sizes = [1, 128], strides = [1, 1]} : vector<100x128xbf16> to vector<1x128xbf16>
    %sub3A_334 = vector.broadcast %slice3A_333 : vector<1x128xbf16> to vector<100x128xbf16>
    %sub3A_335 = arith.subf %sub3A_334, %convert_element_type3A_49 : vector<100x128xbf16>
    %max3A_336 = arith.constant 0.000000e+00 : bf16
    %max3A_337 = vector.broadcast %max3A_336 : bf16 to vector<100x128xbf16>
    %max3A_338 = arith.maximumf %sub3A_335, %max3A_337 : vector<100x128xbf16>
    %add3A_339 = arith.addf %add3A_325, %max3A_338 : vector<100x128xbf16>
    %slice3A_340 = vector.extract_strided_slice %select_n3A_55 {offsets = [41, 0], sizes = [1, 128], strides = [1, 1]} : vector<100x128xbf16> to vector<1x128xbf16>
    %sub3A_341 = vector.broadcast %slice3A_340 : vector<1x128xbf16> to vector<100x128xbf16>
    %sub3A_342 = arith.subf %sub3A_341, %convert_element_type3A_49 : vector<100x128xbf16>
    %max3A_343 = arith.constant 0.000000e+00 : bf16
    %max3A_344 = vector.broadcast %max3A_343 : bf16 to vector<100x128xbf16>
    %max3A_345 = arith.maximumf %sub3A_342, %max3A_344 : vector<100x128xbf16>
    %add3A_346 = arith.addf %add3A_332, %max3A_345 : vector<100x128xbf16>
    %slice3A_347 = vector.extract_strided_slice %select_n3A_55 {offsets = [42, 0], sizes = [1, 128], strides = [1, 1]} : vector<100x128xbf16> to vector<1x128xbf16>
    %sub3A_348 = vector.broadcast %slice3A_347 : vector<1x128xbf16> to vector<100x128xbf16>
    %sub3A_349 = arith.subf %sub3A_348, %convert_element_type3A_49 : vector<100x128xbf16>
    %max3A_350 = arith.constant 0.000000e+00 : bf16
    %max3A_351 = vector.broadcast %max3A_350 : bf16 to vector<100x128xbf16>
    %max3A_352 = arith.maximumf %sub3A_349, %max3A_351 : vector<100x128xbf16>
    %add3A_353 = arith.addf %add3A_339, %max3A_352 : vector<100x128xbf16>
    %slice3A_354 = vector.extract_strided_slice %select_n3A_55 {offsets = [43, 0], sizes = [1, 128], strides = [1, 1]} : vector<100x128xbf16> to vector<1x128xbf16>
    %sub3A_355 = vector.broadcast %slice3A_354 : vector<1x128xbf16> to vector<100x128xbf16>
    %sub3A_356 = arith.subf %sub3A_355, %convert_element_type3A_49 : vector<100x128xbf16>
    %max3A_357 = arith.constant 0.000000e+00 : bf16
    %max3A_358 = vector.broadcast %max3A_357 : bf16 to vector<100x128xbf16>
    %max3A_359 = arith.maximumf %sub3A_356, %max3A_358 : vector<100x128xbf16>
    %add3A_360 = arith.addf %add3A_346, %max3A_359 : vector<100x128xbf16>
    %slice3A_361 = vector.extract_strided_slice %select_n3A_55 {offsets = [44, 0], sizes = [1, 128], strides = [1, 1]} : vector<100x128xbf16> to vector<1x128xbf16>
    %sub3A_362 = vector.broadcast %slice3A_361 : vector<1x128xbf16> to vector<100x128xbf16>
    %sub3A_363 = arith.subf %sub3A_362, %convert_element_type3A_49 : vector<100x128xbf16>
    %max3A_364 = arith.constant 0.000000e+00 : bf16
    %max3A_365 = vector.broadcast %max3A_364 : bf16 to vector<100x128xbf16>
    %max3A_366 = arith.maximumf %sub3A_363, %max3A_365 : vector<100x128xbf16>
    %add3A_367 = arith.addf %add3A_353, %max3A_366 : vector<100x128xbf16>
    %slice3A_368 = vector.extract_strided_slice %select_n3A_55 {offsets = [45, 0], sizes = [1, 128], strides = [1, 1]} : vector<100x128xbf16> to vector<1x128xbf16>
    %sub3A_369 = vector.broadcast %slice3A_368 : vector<1x128xbf16> to vector<100x128xbf16>
    %sub3A_370 = arith.subf %sub3A_369, %convert_element_type3A_49 : vector<100x128xbf16>
    %max3A_371 = arith.constant 0.000000e+00 : bf16
    %max3A_372 = vector.broadcast %max3A_371 : bf16 to vector<100x128xbf16>
    %max3A_373 = arith.maximumf %sub3A_370, %max3A_372 : vector<100x128xbf16>
    %add3A_374 = arith.addf %add3A_360, %max3A_373 : vector<100x128xbf16>
    %slice3A_375 = vector.extract_strided_slice %select_n3A_55 {offsets = [46, 0], sizes = [1, 128], strides = [1, 1]} : vector<100x128xbf16> to vector<1x128xbf16>
    %sub3A_376 = vector.broadcast %slice3A_375 : vector<1x128xbf16> to vector<100x128xbf16>
    %sub3A_377 = arith.subf %sub3A_376, %convert_element_type3A_49 : vector<100x128xbf16>
    %max3A_378 = arith.constant 0.000000e+00 : bf16
    %max3A_379 = vector.broadcast %max3A_378 : bf16 to vector<100x128xbf16>
    %max3A_380 = arith.maximumf %sub3A_377, %max3A_379 : vector<100x128xbf16>
    %add3A_381 = arith.addf %add3A_367, %max3A_380 : vector<100x128xbf16>
    %slice3A_382 = vector.extract_strided_slice %select_n3A_55 {offsets = [47, 0], sizes = [1, 128], strides = [1, 1]} : vector<100x128xbf16> to vector<1x128xbf16>
    %sub3A_383 = vector.broadcast %slice3A_382 : vector<1x128xbf16> to vector<100x128xbf16>
    %sub3A_384 = arith.subf %sub3A_383, %convert_element_type3A_49 : vector<100x128xbf16>
    %max3A_385 = arith.constant 0.000000e+00 : bf16
    %max3A_386 = vector.broadcast %max3A_385 : bf16 to vector<100x128xbf16>
    %max3A_387 = arith.maximumf %sub3A_384, %max3A_386 : vector<100x128xbf16>
    %add3A_388 = arith.addf %add3A_374, %max3A_387 : vector<100x128xbf16>
    %slice3A_389 = vector.extract_strided_slice %select_n3A_55 {offsets = [48, 0], sizes = [1, 128], strides = [1, 1]} : vector<100x128xbf16> to vector<1x128xbf16>
    %sub3A_390 = vector.broadcast %slice3A_389 : vector<1x128xbf16> to vector<100x128xbf16>
    %sub3A_391 = arith.subf %sub3A_390, %convert_element_type3A_49 : vector<100x128xbf16>
    %max3A_392 = arith.constant 0.000000e+00 : bf16
    %max3A_393 = vector.broadcast %max3A_392 : bf16 to vector<100x128xbf16>
    %max3A_394 = arith.maximumf %sub3A_391, %max3A_393 : vector<100x128xbf16>
    %add3A_395 = arith.addf %add3A_381, %max3A_394 : vector<100x128xbf16>
    %slice3A_396 = vector.extract_strided_slice %select_n3A_55 {offsets = [49, 0], sizes = [1, 128], strides = [1, 1]} : vector<100x128xbf16> to vector<1x128xbf16>
    %sub3A_397 = vector.broadcast %slice3A_396 : vector<1x128xbf16> to vector<100x128xbf16>
    %sub3A_398 = arith.subf %sub3A_397, %convert_element_type3A_49 : vector<100x128xbf16>
    %max3A_399 = arith.constant 0.000000e+00 : bf16
    %max3A_400 = vector.broadcast %max3A_399 : bf16 to vector<100x128xbf16>
    %max3A_401 = arith.maximumf %sub3A_398, %max3A_400 : vector<100x128xbf16>
    %add3A_402 = arith.addf %add3A_388, %max3A_401 : vector<100x128xbf16>
    %slice3A_403 = vector.extract_strided_slice %select_n3A_55 {offsets = [50, 0], sizes = [1, 128], strides = [1, 1]} : vector<100x128xbf16> to vector<1x128xbf16>
    %sub3A_404 = vector.broadcast %slice3A_403 : vector<1x128xbf16> to vector<100x128xbf16>
    %sub3A_405 = arith.subf %sub3A_404, %convert_element_type3A_49 : vector<100x128xbf16>
    %max3A_406 = arith.constant 0.000000e+00 : bf16
    %max3A_407 = vector.broadcast %max3A_406 : bf16 to vector<100x128xbf16>
    %max3A_408 = arith.maximumf %sub3A_405, %max3A_407 : vector<100x128xbf16>
    %add3A_409 = arith.addf %add3A_395, %max3A_408 : vector<100x128xbf16>
    %slice3A_410 = vector.extract_strided_slice %select_n3A_55 {offsets = [51, 0], sizes = [1, 128], strides = [1, 1]} : vector<100x128xbf16> to vector<1x128xbf16>
    %sub3A_411 = vector.broadcast %slice3A_410 : vector<1x128xbf16> to vector<100x128xbf16>
    %sub3A_412 = arith.subf %sub3A_411, %convert_element_type3A_49 : vector<100x128xbf16>
    %max3A_413 = arith.constant 0.000000e+00 : bf16
    %max3A_414 = vector.broadcast %max3A_413 : bf16 to vector<100x128xbf16>
    %max3A_415 = arith.maximumf %sub3A_412, %max3A_414 : vector<100x128xbf16>
    %add3A_416 = arith.addf %add3A_402, %max3A_415 : vector<100x128xbf16>
    %slice3A_417 = vector.extract_strided_slice %select_n3A_55 {offsets = [52, 0], sizes = [1, 128], strides = [1, 1]} : vector<100x128xbf16> to vector<1x128xbf16>
    %sub3A_418 = vector.broadcast %slice3A_417 : vector<1x128xbf16> to vector<100x128xbf16>
    %sub3A_419 = arith.subf %sub3A_418, %convert_element_type3A_49 : vector<100x128xbf16>
    %max3A_420 = arith.constant 0.000000e+00 : bf16
    %max3A_421 = vector.broadcast %max3A_420 : bf16 to vector<100x128xbf16>
    %max3A_422 = arith.maximumf %sub3A_419, %max3A_421 : vector<100x128xbf16>
    %add3A_423 = arith.addf %add3A_409, %max3A_422 : vector<100x128xbf16>
    %slice3A_424 = vector.extract_strided_slice %select_n3A_55 {offsets = [53, 0], sizes = [1, 128], strides = [1, 1]} : vector<100x128xbf16> to vector<1x128xbf16>
    %sub3A_425 = vector.broadcast %slice3A_424 : vector<1x128xbf16> to vector<100x128xbf16>
    %sub3A_426 = arith.subf %sub3A_425, %convert_element_type3A_49 : vector<100x128xbf16>
    %max3A_427 = arith.constant 0.000000e+00 : bf16
    %max3A_428 = vector.broadcast %max3A_427 : bf16 to vector<100x128xbf16>
    %max3A_429 = arith.maximumf %sub3A_426, %max3A_428 : vector<100x128xbf16>
    %add3A_430 = arith.addf %add3A_416, %max3A_429 : vector<100x128xbf16>
    %slice3A_431 = vector.extract_strided_slice %select_n3A_55 {offsets = [54, 0], sizes = [1, 128], strides = [1, 1]} : vector<100x128xbf16> to vector<1x128xbf16>
    %sub3A_432 = vector.broadcast %slice3A_431 : vector<1x128xbf16> to vector<100x128xbf16>
    %sub3A_433 = arith.subf %sub3A_432, %convert_element_type3A_49 : vector<100x128xbf16>
    %max3A_434 = arith.constant 0.000000e+00 : bf16
    %max3A_435 = vector.broadcast %max3A_434 : bf16 to vector<100x128xbf16>
    %max3A_436 = arith.maximumf %sub3A_433, %max3A_435 : vector<100x128xbf16>
    %add3A_437 = arith.addf %add3A_423, %max3A_436 : vector<100x128xbf16>
    %slice3A_438 = vector.extract_strided_slice %select_n3A_55 {offsets = [55, 0], sizes = [1, 128], strides = [1, 1]} : vector<100x128xbf16> to vector<1x128xbf16>
    %sub3A_439 = vector.broadcast %slice3A_438 : vector<1x128xbf16> to vector<100x128xbf16>
    %sub3A_440 = arith.subf %sub3A_439, %convert_element_type3A_49 : vector<100x128xbf16>
    %max3A_441 = arith.constant 0.000000e+00 : bf16
    %max3A_442 = vector.broadcast %max3A_441 : bf16 to vector<100x128xbf16>
    %max3A_443 = arith.maximumf %sub3A_440, %max3A_442 : vector<100x128xbf16>
    %add3A_444 = arith.addf %add3A_430, %max3A_443 : vector<100x128xbf16>
    %slice3A_445 = vector.extract_strided_slice %select_n3A_55 {offsets = [56, 0], sizes = [1, 128], strides = [1, 1]} : vector<100x128xbf16> to vector<1x128xbf16>
    %sub3A_446 = vector.broadcast %slice3A_445 : vector<1x128xbf16> to vector<100x128xbf16>
    %sub3A_447 = arith.subf %sub3A_446, %convert_element_type3A_49 : vector<100x128xbf16>
    %max3A_448 = arith.constant 0.000000e+00 : bf16
    %max3A_449 = vector.broadcast %max3A_448 : bf16 to vector<100x128xbf16>
    %max3A_450 = arith.maximumf %sub3A_447, %max3A_449 : vector<100x128xbf16>
    %add3A_451 = arith.addf %add3A_437, %max3A_450 : vector<100x128xbf16>
    %slice3A_452 = vector.extract_strided_slice %select_n3A_55 {offsets = [57, 0], sizes = [1, 128], strides = [1, 1]} : vector<100x128xbf16> to vector<1x128xbf16>
    %sub3A_453 = vector.broadcast %slice3A_452 : vector<1x128xbf16> to vector<100x128xbf16>
    %sub3A_454 = arith.subf %sub3A_453, %convert_element_type3A_49 : vector<100x128xbf16>
    %max3A_455 = arith.constant 0.000000e+00 : bf16
    %max3A_456 = vector.broadcast %max3A_455 : bf16 to vector<100x128xbf16>
    %max3A_457 = arith.maximumf %sub3A_454, %max3A_456 : vector<100x128xbf16>
    %add3A_458 = arith.addf %add3A_444, %max3A_457 : vector<100x128xbf16>
    %slice3A_459 = vector.extract_strided_slice %select_n3A_55 {offsets = [58, 0], sizes = [1, 128], strides = [1, 1]} : vector<100x128xbf16> to vector<1x128xbf16>
    %sub3A_460 = vector.broadcast %slice3A_459 : vector<1x128xbf16> to vector<100x128xbf16>
    %sub3A_461 = arith.subf %sub3A_460, %convert_element_type3A_49 : vector<100x128xbf16>
    %max3A_462 = arith.constant 0.000000e+00 : bf16
    %max3A_463 = vector.broadcast %max3A_462 : bf16 to vector<100x128xbf16>
    %max3A_464 = arith.maximumf %sub3A_461, %max3A_463 : vector<100x128xbf16>
    %add3A_465 = arith.addf %add3A_451, %max3A_464 : vector<100x128xbf16>
    %slice3A_466 = vector.extract_strided_slice %select_n3A_55 {offsets = [59, 0], sizes = [1, 128], strides = [1, 1]} : vector<100x128xbf16> to vector<1x128xbf16>
    %sub3A_467 = vector.broadcast %slice3A_466 : vector<1x128xbf16> to vector<100x128xbf16>
    %sub3A_468 = arith.subf %sub3A_467, %convert_element_type3A_49 : vector<100x128xbf16>
    %max3A_469 = arith.constant 0.000000e+00 : bf16
    %max3A_470 = vector.broadcast %max3A_469 : bf16 to vector<100x128xbf16>
    %max3A_471 = arith.maximumf %sub3A_468, %max3A_470 : vector<100x128xbf16>
    %add3A_472 = arith.addf %add3A_458, %max3A_471 : vector<100x128xbf16>
    %slice3A_473 = vector.extract_strided_slice %select_n3A_55 {offsets = [60, 0], sizes = [1, 128], strides = [1, 1]} : vector<100x128xbf16> to vector<1x128xbf16>
    %sub3A_474 = vector.broadcast %slice3A_473 : vector<1x128xbf16> to vector<100x128xbf16>
    %sub3A_475 = arith.subf %sub3A_474, %convert_element_type3A_49 : vector<100x128xbf16>
    %max3A_476 = arith.constant 0.000000e+00 : bf16
    %max3A_477 = vector.broadcast %max3A_476 : bf16 to vector<100x128xbf16>
    %max3A_478 = arith.maximumf %sub3A_475, %max3A_477 : vector<100x128xbf16>
    %add3A_479 = arith.addf %add3A_465, %max3A_478 : vector<100x128xbf16>
    %slice3A_480 = vector.extract_strided_slice %select_n3A_55 {offsets = [61, 0], sizes = [1, 128], strides = [1, 1]} : vector<100x128xbf16> to vector<1x128xbf16>
    %sub3A_481 = vector.broadcast %slice3A_480 : vector<1x128xbf16> to vector<100x128xbf16>
    %sub3A_482 = arith.subf %sub3A_481, %convert_element_type3A_49 : vector<100x128xbf16>
    %max3A_483 = arith.constant 0.000000e+00 : bf16
    %max3A_484 = vector.broadcast %max3A_483 : bf16 to vector<100x128xbf16>
    %max3A_485 = arith.maximumf %sub3A_482, %max3A_484 : vector<100x128xbf16>
    %add3A_486 = arith.addf %add3A_472, %max3A_485 : vector<100x128xbf16>
    %slice3A_487 = vector.extract_strided_slice %select_n3A_55 {offsets = [62, 0], sizes = [1, 128], strides = [1, 1]} : vector<100x128xbf16> to vector<1x128xbf16>
    %sub3A_488 = vector.broadcast %slice3A_487 : vector<1x128xbf16> to vector<100x128xbf16>
    %sub3A_489 = arith.subf %sub3A_488, %convert_element_type3A_49 : vector<100x128xbf16>
    %max3A_490 = arith.constant 0.000000e+00 : bf16
    %max3A_491 = vector.broadcast %max3A_490 : bf16 to vector<100x128xbf16>
    %max3A_492 = arith.maximumf %sub3A_489, %max3A_491 : vector<100x128xbf16>
    %add3A_493 = arith.addf %add3A_479, %max3A_492 : vector<100x128xbf16>
    %slice3A_494 = vector.extract_strided_slice %select_n3A_55 {offsets = [63, 0], sizes = [1, 128], strides = [1, 1]} : vector<100x128xbf16> to vector<1x128xbf16>
    %sub3A_495 = vector.broadcast %slice3A_494 : vector<1x128xbf16> to vector<100x128xbf16>
    %sub3A_496 = arith.subf %sub3A_495, %convert_element_type3A_49 : vector<100x128xbf16>
    %max3A_497 = arith.constant 0.000000e+00 : bf16
    %max3A_498 = vector.broadcast %max3A_497 : bf16 to vector<100x128xbf16>
    %max3A_499 = arith.maximumf %sub3A_496, %max3A_498 : vector<100x128xbf16>
    %add3A_500 = arith.addf %add3A_486, %max3A_499 : vector<100x128xbf16>
    %slice3A_501 = vector.extract_strided_slice %select_n3A_55 {offsets = [64, 0], sizes = [1, 128], strides = [1, 1]} : vector<100x128xbf16> to vector<1x128xbf16>
    %sub3A_502 = vector.broadcast %slice3A_501 : vector<1x128xbf16> to vector<100x128xbf16>
    %sub3A_503 = arith.subf %sub3A_502, %convert_element_type3A_49 : vector<100x128xbf16>
    %max3A_504 = arith.constant 0.000000e+00 : bf16
    %max3A_505 = vector.broadcast %max3A_504 : bf16 to vector<100x128xbf16>
    %max3A_506 = arith.maximumf %sub3A_503, %max3A_505 : vector<100x128xbf16>
    %add3A_507 = arith.addf %add3A_493, %max3A_506 : vector<100x128xbf16>
    %slice3A_508 = vector.extract_strided_slice %select_n3A_55 {offsets = [65, 0], sizes = [1, 128], strides = [1, 1]} : vector<100x128xbf16> to vector<1x128xbf16>
    %sub3A_509 = vector.broadcast %slice3A_508 : vector<1x128xbf16> to vector<100x128xbf16>
    %sub3A_510 = arith.subf %sub3A_509, %convert_element_type3A_49 : vector<100x128xbf16>
    %max3A_511 = arith.constant 0.000000e+00 : bf16
    %max3A_512 = vector.broadcast %max3A_511 : bf16 to vector<100x128xbf16>
    %max3A_513 = arith.maximumf %sub3A_510, %max3A_512 : vector<100x128xbf16>
    %add3A_514 = arith.addf %add3A_500, %max3A_513 : vector<100x128xbf16>
    %slice3A_515 = vector.extract_strided_slice %select_n3A_55 {offsets = [66, 0], sizes = [1, 128], strides = [1, 1]} : vector<100x128xbf16> to vector<1x128xbf16>
    %sub3A_516 = vector.broadcast %slice3A_515 : vector<1x128xbf16> to vector<100x128xbf16>
    %sub3A_517 = arith.subf %sub3A_516, %convert_element_type3A_49 : vector<100x128xbf16>
    %max3A_518 = arith.constant 0.000000e+00 : bf16
    %max3A_519 = vector.broadcast %max3A_518 : bf16 to vector<100x128xbf16>
    %max3A_520 = arith.maximumf %sub3A_517, %max3A_519 : vector<100x128xbf16>
    %add3A_521 = arith.addf %add3A_507, %max3A_520 : vector<100x128xbf16>
    %slice3A_522 = vector.extract_strided_slice %select_n3A_55 {offsets = [67, 0], sizes = [1, 128], strides = [1, 1]} : vector<100x128xbf16> to vector<1x128xbf16>
    %sub3A_523 = vector.broadcast %slice3A_522 : vector<1x128xbf16> to vector<100x128xbf16>
    %sub3A_524 = arith.subf %sub3A_523, %convert_element_type3A_49 : vector<100x128xbf16>
    %max3A_525 = arith.constant 0.000000e+00 : bf16
    %max3A_526 = vector.broadcast %max3A_525 : bf16 to vector<100x128xbf16>
    %max3A_527 = arith.maximumf %sub3A_524, %max3A_526 : vector<100x128xbf16>
    %add3A_528 = arith.addf %add3A_514, %max3A_527 : vector<100x128xbf16>
    %slice3A_529 = vector.extract_strided_slice %select_n3A_55 {offsets = [68, 0], sizes = [1, 128], strides = [1, 1]} : vector<100x128xbf16> to vector<1x128xbf16>
    %sub3A_530 = vector.broadcast %slice3A_529 : vector<1x128xbf16> to vector<100x128xbf16>
    %sub3A_531 = arith.subf %sub3A_530, %convert_element_type3A_49 : vector<100x128xbf16>
    %max3A_532 = arith.constant 0.000000e+00 : bf16
    %max3A_533 = vector.broadcast %max3A_532 : bf16 to vector<100x128xbf16>
    %max3A_534 = arith.maximumf %sub3A_531, %max3A_533 : vector<100x128xbf16>
    %add3A_535 = arith.addf %add3A_521, %max3A_534 : vector<100x128xbf16>
    %slice3A_536 = vector.extract_strided_slice %select_n3A_55 {offsets = [69, 0], sizes = [1, 128], strides = [1, 1]} : vector<100x128xbf16> to vector<1x128xbf16>
    %sub3A_537 = vector.broadcast %slice3A_536 : vector<1x128xbf16> to vector<100x128xbf16>
    %sub3A_538 = arith.subf %sub3A_537, %convert_element_type3A_49 : vector<100x128xbf16>
    %max3A_539 = arith.constant 0.000000e+00 : bf16
    %max3A_540 = vector.broadcast %max3A_539 : bf16 to vector<100x128xbf16>
    %max3A_541 = arith.maximumf %sub3A_538, %max3A_540 : vector<100x128xbf16>
    %add3A_542 = arith.addf %add3A_528, %max3A_541 : vector<100x128xbf16>
    %slice3A_543 = vector.extract_strided_slice %select_n3A_55 {offsets = [70, 0], sizes = [1, 128], strides = [1, 1]} : vector<100x128xbf16> to vector<1x128xbf16>
    %sub3A_544 = vector.broadcast %slice3A_543 : vector<1x128xbf16> to vector<100x128xbf16>
    %sub3A_545 = arith.subf %sub3A_544, %convert_element_type3A_49 : vector<100x128xbf16>
    %max3A_546 = arith.constant 0.000000e+00 : bf16
    %max3A_547 = vector.broadcast %max3A_546 : bf16 to vector<100x128xbf16>
    %max3A_548 = arith.maximumf %sub3A_545, %max3A_547 : vector<100x128xbf16>
    %add3A_549 = arith.addf %add3A_535, %max3A_548 : vector<100x128xbf16>
    %slice3A_550 = vector.extract_strided_slice %select_n3A_55 {offsets = [71, 0], sizes = [1, 128], strides = [1, 1]} : vector<100x128xbf16> to vector<1x128xbf16>
    %sub3A_551 = vector.broadcast %slice3A_550 : vector<1x128xbf16> to vector<100x128xbf16>
    %sub3A_552 = arith.subf %sub3A_551, %convert_element_type3A_49 : vector<100x128xbf16>
    %max3A_553 = arith.constant 0.000000e+00 : bf16
    %max3A_554 = vector.broadcast %max3A_553 : bf16 to vector<100x128xbf16>
    %max3A_555 = arith.maximumf %sub3A_552, %max3A_554 : vector<100x128xbf16>
    %add3A_556 = arith.addf %add3A_542, %max3A_555 : vector<100x128xbf16>
    %slice3A_557 = vector.extract_strided_slice %select_n3A_55 {offsets = [72, 0], sizes = [1, 128], strides = [1, 1]} : vector<100x128xbf16> to vector<1x128xbf16>
    %sub3A_558 = vector.broadcast %slice3A_557 : vector<1x128xbf16> to vector<100x128xbf16>
    %sub3A_559 = arith.subf %sub3A_558, %convert_element_type3A_49 : vector<100x128xbf16>
    %max3A_560 = arith.constant 0.000000e+00 : bf16
    %max3A_561 = vector.broadcast %max3A_560 : bf16 to vector<100x128xbf16>
    %max3A_562 = arith.maximumf %sub3A_559, %max3A_561 : vector<100x128xbf16>
    %add3A_563 = arith.addf %add3A_549, %max3A_562 : vector<100x128xbf16>
    %slice3A_564 = vector.extract_strided_slice %select_n3A_55 {offsets = [73, 0], sizes = [1, 128], strides = [1, 1]} : vector<100x128xbf16> to vector<1x128xbf16>
    %sub3A_565 = vector.broadcast %slice3A_564 : vector<1x128xbf16> to vector<100x128xbf16>
    %sub3A_566 = arith.subf %sub3A_565, %convert_element_type3A_49 : vector<100x128xbf16>
    %max3A_567 = arith.constant 0.000000e+00 : bf16
    %max3A_568 = vector.broadcast %max3A_567 : bf16 to vector<100x128xbf16>
    %max3A_569 = arith.maximumf %sub3A_566, %max3A_568 : vector<100x128xbf16>
    %add3A_570 = arith.addf %add3A_556, %max3A_569 : vector<100x128xbf16>
    %slice3A_571 = vector.extract_strided_slice %select_n3A_55 {offsets = [74, 0], sizes = [1, 128], strides = [1, 1]} : vector<100x128xbf16> to vector<1x128xbf16>
    %sub3A_572 = vector.broadcast %slice3A_571 : vector<1x128xbf16> to vector<100x128xbf16>
    %sub3A_573 = arith.subf %sub3A_572, %convert_element_type3A_49 : vector<100x128xbf16>
    %max3A_574 = arith.constant 0.000000e+00 : bf16
    %max3A_575 = vector.broadcast %max3A_574 : bf16 to vector<100x128xbf16>
    %max3A_576 = arith.maximumf %sub3A_573, %max3A_575 : vector<100x128xbf16>
    %add3A_577 = arith.addf %add3A_563, %max3A_576 : vector<100x128xbf16>
    %slice3A_578 = vector.extract_strided_slice %select_n3A_55 {offsets = [75, 0], sizes = [1, 128], strides = [1, 1]} : vector<100x128xbf16> to vector<1x128xbf16>
    %sub3A_579 = vector.broadcast %slice3A_578 : vector<1x128xbf16> to vector<100x128xbf16>
    %sub3A_580 = arith.subf %sub3A_579, %convert_element_type3A_49 : vector<100x128xbf16>
    %max3A_581 = arith.constant 0.000000e+00 : bf16
    %max3A_582 = vector.broadcast %max3A_581 : bf16 to vector<100x128xbf16>
    %max3A_583 = arith.maximumf %sub3A_580, %max3A_582 : vector<100x128xbf16>
    %add3A_584 = arith.addf %add3A_570, %max3A_583 : vector<100x128xbf16>
    %slice3A_585 = vector.extract_strided_slice %select_n3A_55 {offsets = [76, 0], sizes = [1, 128], strides = [1, 1]} : vector<100x128xbf16> to vector<1x128xbf16>
    %sub3A_586 = vector.broadcast %slice3A_585 : vector<1x128xbf16> to vector<100x128xbf16>
    %sub3A_587 = arith.subf %sub3A_586, %convert_element_type3A_49 : vector<100x128xbf16>
    %max3A_588 = arith.constant 0.000000e+00 : bf16
    %max3A_589 = vector.broadcast %max3A_588 : bf16 to vector<100x128xbf16>
    %max3A_590 = arith.maximumf %sub3A_587, %max3A_589 : vector<100x128xbf16>
    %add3A_591 = arith.addf %add3A_577, %max3A_590 : vector<100x128xbf16>
    %slice3A_592 = vector.extract_strided_slice %select_n3A_55 {offsets = [77, 0], sizes = [1, 128], strides = [1, 1]} : vector<100x128xbf16> to vector<1x128xbf16>
    %sub3A_593 = vector.broadcast %slice3A_592 : vector<1x128xbf16> to vector<100x128xbf16>
    %sub3A_594 = arith.subf %sub3A_593, %convert_element_type3A_49 : vector<100x128xbf16>
    %max3A_595 = arith.constant 0.000000e+00 : bf16
    %max3A_596 = vector.broadcast %max3A_595 : bf16 to vector<100x128xbf16>
    %max3A_597 = arith.maximumf %sub3A_594, %max3A_596 : vector<100x128xbf16>
    %add3A_598 = arith.addf %add3A_584, %max3A_597 : vector<100x128xbf16>
    %slice3A_599 = vector.extract_strided_slice %select_n3A_55 {offsets = [78, 0], sizes = [1, 128], strides = [1, 1]} : vector<100x128xbf16> to vector<1x128xbf16>
    %sub3A_600 = vector.broadcast %slice3A_599 : vector<1x128xbf16> to vector<100x128xbf16>
    %sub3A_601 = arith.subf %sub3A_600, %convert_element_type3A_49 : vector<100x128xbf16>
    %max3A_602 = arith.constant 0.000000e+00 : bf16
    %max3A_603 = vector.broadcast %max3A_602 : bf16 to vector<100x128xbf16>
    %max3A_604 = arith.maximumf %sub3A_601, %max3A_603 : vector<100x128xbf16>
    %add3A_605 = arith.addf %add3A_591, %max3A_604 : vector<100x128xbf16>
    %slice3A_606 = vector.extract_strided_slice %select_n3A_55 {offsets = [79, 0], sizes = [1, 128], strides = [1, 1]} : vector<100x128xbf16> to vector<1x128xbf16>
    %sub3A_607 = vector.broadcast %slice3A_606 : vector<1x128xbf16> to vector<100x128xbf16>
    %sub3A_608 = arith.subf %sub3A_607, %convert_element_type3A_49 : vector<100x128xbf16>
    %max3A_609 = arith.constant 0.000000e+00 : bf16
    %max3A_610 = vector.broadcast %max3A_609 : bf16 to vector<100x128xbf16>
    %max3A_611 = arith.maximumf %sub3A_608, %max3A_610 : vector<100x128xbf16>
    %add3A_612 = arith.addf %add3A_598, %max3A_611 : vector<100x128xbf16>
    %slice3A_613 = vector.extract_strided_slice %select_n3A_55 {offsets = [80, 0], sizes = [1, 128], strides = [1, 1]} : vector<100x128xbf16> to vector<1x128xbf16>
    %sub3A_614 = vector.broadcast %slice3A_613 : vector<1x128xbf16> to vector<100x128xbf16>
    %sub3A_615 = arith.subf %sub3A_614, %convert_element_type3A_49 : vector<100x128xbf16>
    %max3A_616 = arith.constant 0.000000e+00 : bf16
    %max3A_617 = vector.broadcast %max3A_616 : bf16 to vector<100x128xbf16>
    %max3A_618 = arith.maximumf %sub3A_615, %max3A_617 : vector<100x128xbf16>
    %add3A_619 = arith.addf %add3A_605, %max3A_618 : vector<100x128xbf16>
    %slice3A_620 = vector.extract_strided_slice %select_n3A_55 {offsets = [81, 0], sizes = [1, 128], strides = [1, 1]} : vector<100x128xbf16> to vector<1x128xbf16>
    %sub3A_621 = vector.broadcast %slice3A_620 : vector<1x128xbf16> to vector<100x128xbf16>
    %sub3A_622 = arith.subf %sub3A_621, %convert_element_type3A_49 : vector<100x128xbf16>
    %max3A_623 = arith.constant 0.000000e+00 : bf16
    %max3A_624 = vector.broadcast %max3A_623 : bf16 to vector<100x128xbf16>
    %max3A_625 = arith.maximumf %sub3A_622, %max3A_624 : vector<100x128xbf16>
    %add3A_626 = arith.addf %add3A_612, %max3A_625 : vector<100x128xbf16>
    %slice3A_627 = vector.extract_strided_slice %select_n3A_55 {offsets = [82, 0], sizes = [1, 128], strides = [1, 1]} : vector<100x128xbf16> to vector<1x128xbf16>
    %sub3A_628 = vector.broadcast %slice3A_627 : vector<1x128xbf16> to vector<100x128xbf16>
    %sub3A_629 = arith.subf %sub3A_628, %convert_element_type3A_49 : vector<100x128xbf16>
    %max3A_630 = arith.constant 0.000000e+00 : bf16
    %max3A_631 = vector.broadcast %max3A_630 : bf16 to vector<100x128xbf16>
    %max3A_632 = arith.maximumf %sub3A_629, %max3A_631 : vector<100x128xbf16>
    %add3A_633 = arith.addf %add3A_619, %max3A_632 : vector<100x128xbf16>
    %slice3A_634 = vector.extract_strided_slice %select_n3A_55 {offsets = [83, 0], sizes = [1, 128], strides = [1, 1]} : vector<100x128xbf16> to vector<1x128xbf16>
    %sub3A_635 = vector.broadcast %slice3A_634 : vector<1x128xbf16> to vector<100x128xbf16>
    %sub3A_636 = arith.subf %sub3A_635, %convert_element_type3A_49 : vector<100x128xbf16>
    %max3A_637 = arith.constant 0.000000e+00 : bf16
    %max3A_638 = vector.broadcast %max3A_637 : bf16 to vector<100x128xbf16>
    %max3A_639 = arith.maximumf %sub3A_636, %max3A_638 : vector<100x128xbf16>
    %add3A_640 = arith.addf %add3A_626, %max3A_639 : vector<100x128xbf16>
    %slice3A_641 = vector.extract_strided_slice %select_n3A_55 {offsets = [84, 0], sizes = [1, 128], strides = [1, 1]} : vector<100x128xbf16> to vector<1x128xbf16>
    %sub3A_642 = vector.broadcast %slice3A_641 : vector<1x128xbf16> to vector<100x128xbf16>
    %sub3A_643 = arith.subf %sub3A_642, %convert_element_type3A_49 : vector<100x128xbf16>
    %max3A_644 = arith.constant 0.000000e+00 : bf16
    %max3A_645 = vector.broadcast %max3A_644 : bf16 to vector<100x128xbf16>
    %max3A_646 = arith.maximumf %sub3A_643, %max3A_645 : vector<100x128xbf16>
    %add3A_647 = arith.addf %add3A_633, %max3A_646 : vector<100x128xbf16>
    %slice3A_648 = vector.extract_strided_slice %select_n3A_55 {offsets = [85, 0], sizes = [1, 128], strides = [1, 1]} : vector<100x128xbf16> to vector<1x128xbf16>
    %sub3A_649 = vector.broadcast %slice3A_648 : vector<1x128xbf16> to vector<100x128xbf16>
    %sub3A_650 = arith.subf %sub3A_649, %convert_element_type3A_49 : vector<100x128xbf16>
    %max3A_651 = arith.constant 0.000000e+00 : bf16
    %max3A_652 = vector.broadcast %max3A_651 : bf16 to vector<100x128xbf16>
    %max3A_653 = arith.maximumf %sub3A_650, %max3A_652 : vector<100x128xbf16>
    %add3A_654 = arith.addf %add3A_640, %max3A_653 : vector<100x128xbf16>
    %slice3A_655 = vector.extract_strided_slice %select_n3A_55 {offsets = [86, 0], sizes = [1, 128], strides = [1, 1]} : vector<100x128xbf16> to vector<1x128xbf16>
    %sub3A_656 = vector.broadcast %slice3A_655 : vector<1x128xbf16> to vector<100x128xbf16>
    %sub3A_657 = arith.subf %sub3A_656, %convert_element_type3A_49 : vector<100x128xbf16>
    %max3A_658 = arith.constant 0.000000e+00 : bf16
    %max3A_659 = vector.broadcast %max3A_658 : bf16 to vector<100x128xbf16>
    %max3A_660 = arith.maximumf %sub3A_657, %max3A_659 : vector<100x128xbf16>
    %add3A_661 = arith.addf %add3A_647, %max3A_660 : vector<100x128xbf16>
    %slice3A_662 = vector.extract_strided_slice %select_n3A_55 {offsets = [87, 0], sizes = [1, 128], strides = [1, 1]} : vector<100x128xbf16> to vector<1x128xbf16>
    %sub3A_663 = vector.broadcast %slice3A_662 : vector<1x128xbf16> to vector<100x128xbf16>
    %sub3A_664 = arith.subf %sub3A_663, %convert_element_type3A_49 : vector<100x128xbf16>
    %max3A_665 = arith.constant 0.000000e+00 : bf16
    %max3A_666 = vector.broadcast %max3A_665 : bf16 to vector<100x128xbf16>
    %max3A_667 = arith.maximumf %sub3A_664, %max3A_666 : vector<100x128xbf16>
    %add3A_668 = arith.addf %add3A_654, %max3A_667 : vector<100x128xbf16>
    %slice3A_669 = vector.extract_strided_slice %select_n3A_55 {offsets = [88, 0], sizes = [1, 128], strides = [1, 1]} : vector<100x128xbf16> to vector<1x128xbf16>
    %sub3A_670 = vector.broadcast %slice3A_669 : vector<1x128xbf16> to vector<100x128xbf16>
    %sub3A_671 = arith.subf %sub3A_670, %convert_element_type3A_49 : vector<100x128xbf16>
    %max3A_672 = arith.constant 0.000000e+00 : bf16
    %max3A_673 = vector.broadcast %max3A_672 : bf16 to vector<100x128xbf16>
    %max3A_674 = arith.maximumf %sub3A_671, %max3A_673 : vector<100x128xbf16>
    %add3A_675 = arith.addf %add3A_661, %max3A_674 : vector<100x128xbf16>
    %slice3A_676 = vector.extract_strided_slice %select_n3A_55 {offsets = [89, 0], sizes = [1, 128], strides = [1, 1]} : vector<100x128xbf16> to vector<1x128xbf16>
    %sub3A_677 = vector.broadcast %slice3A_676 : vector<1x128xbf16> to vector<100x128xbf16>
    %sub3A_678 = arith.subf %sub3A_677, %convert_element_type3A_49 : vector<100x128xbf16>
    %max3A_679 = arith.constant 0.000000e+00 : bf16
    %max3A_680 = vector.broadcast %max3A_679 : bf16 to vector<100x128xbf16>
    %max3A_681 = arith.maximumf %sub3A_678, %max3A_680 : vector<100x128xbf16>
    %add3A_682 = arith.addf %add3A_668, %max3A_681 : vector<100x128xbf16>
    %slice3A_683 = vector.extract_strided_slice %select_n3A_55 {offsets = [90, 0], sizes = [1, 128], strides = [1, 1]} : vector<100x128xbf16> to vector<1x128xbf16>
    %sub3A_684 = vector.broadcast %slice3A_683 : vector<1x128xbf16> to vector<100x128xbf16>
    %sub3A_685 = arith.subf %sub3A_684, %convert_element_type3A_49 : vector<100x128xbf16>
    %max3A_686 = arith.constant 0.000000e+00 : bf16
    %max3A_687 = vector.broadcast %max3A_686 : bf16 to vector<100x128xbf16>
    %max3A_688 = arith.maximumf %sub3A_685, %max3A_687 : vector<100x128xbf16>
    %add3A_689 = arith.addf %add3A_675, %max3A_688 : vector<100x128xbf16>
    %slice3A_690 = vector.extract_strided_slice %select_n3A_55 {offsets = [91, 0], sizes = [1, 128], strides = [1, 1]} : vector<100x128xbf16> to vector<1x128xbf16>
    %sub3A_691 = vector.broadcast %slice3A_690 : vector<1x128xbf16> to vector<100x128xbf16>
    %sub3A_692 = arith.subf %sub3A_691, %convert_element_type3A_49 : vector<100x128xbf16>
    %max3A_693 = arith.constant 0.000000e+00 : bf16
    %max3A_694 = vector.broadcast %max3A_693 : bf16 to vector<100x128xbf16>
    %max3A_695 = arith.maximumf %sub3A_692, %max3A_694 : vector<100x128xbf16>
    %add3A_696 = arith.addf %add3A_682, %max3A_695 : vector<100x128xbf16>
    %slice3A_697 = vector.extract_strided_slice %select_n3A_55 {offsets = [92, 0], sizes = [1, 128], strides = [1, 1]} : vector<100x128xbf16> to vector<1x128xbf16>
    %sub3A_698 = vector.broadcast %slice3A_697 : vector<1x128xbf16> to vector<100x128xbf16>
    %sub3A_699 = arith.subf %sub3A_698, %convert_element_type3A_49 : vector<100x128xbf16>
    %max3A_700 = arith.constant 0.000000e+00 : bf16
    %max3A_701 = vector.broadcast %max3A_700 : bf16 to vector<100x128xbf16>
    %max3A_702 = arith.maximumf %sub3A_699, %max3A_701 : vector<100x128xbf16>
    %add3A_703 = arith.addf %add3A_689, %max3A_702 : vector<100x128xbf16>
    %slice3A_704 = vector.extract_strided_slice %select_n3A_55 {offsets = [93, 0], sizes = [1, 128], strides = [1, 1]} : vector<100x128xbf16> to vector<1x128xbf16>
    %sub3A_705 = vector.broadcast %slice3A_704 : vector<1x128xbf16> to vector<100x128xbf16>
    %sub3A_706 = arith.subf %sub3A_705, %convert_element_type3A_49 : vector<100x128xbf16>
    %max3A_707 = arith.constant 0.000000e+00 : bf16
    %max3A_708 = vector.broadcast %max3A_707 : bf16 to vector<100x128xbf16>
    %max3A_709 = arith.maximumf %sub3A_706, %max3A_708 : vector<100x128xbf16>
    %add3A_710 = arith.addf %add3A_696, %max3A_709 : vector<100x128xbf16>
    %slice3A_711 = vector.extract_strided_slice %select_n3A_55 {offsets = [94, 0], sizes = [1, 128], strides = [1, 1]} : vector<100x128xbf16> to vector<1x128xbf16>
    %sub3A_712 = vector.broadcast %slice3A_711 : vector<1x128xbf16> to vector<100x128xbf16>
    %sub3A_713 = arith.subf %sub3A_712, %convert_element_type3A_49 : vector<100x128xbf16>
    %max3A_714 = arith.constant 0.000000e+00 : bf16
    %max3A_715 = vector.broadcast %max3A_714 : bf16 to vector<100x128xbf16>
    %max3A_716 = arith.maximumf %sub3A_713, %max3A_715 : vector<100x128xbf16>
    %add3A_717 = arith.addf %add3A_703, %max3A_716 : vector<100x128xbf16>
    %slice3A_718 = vector.extract_strided_slice %select_n3A_55 {offsets = [95, 0], sizes = [1, 128], strides = [1, 1]} : vector<100x128xbf16> to vector<1x128xbf16>
    %sub3A_719 = vector.broadcast %slice3A_718 : vector<1x128xbf16> to vector<100x128xbf16>
    %sub3A_720 = arith.subf %sub3A_719, %convert_element_type3A_49 : vector<100x128xbf16>
    %max3A_721 = arith.constant 0.000000e+00 : bf16
    %max3A_722 = vector.broadcast %max3A_721 : bf16 to vector<100x128xbf16>
    %max3A_723 = arith.maximumf %sub3A_720, %max3A_722 : vector<100x128xbf16>
    %add3A_724 = arith.addf %add3A_710, %max3A_723 : vector<100x128xbf16>
    %slice3A_725 = vector.extract_strided_slice %select_n3A_55 {offsets = [96, 0], sizes = [1, 128], strides = [1, 1]} : vector<100x128xbf16> to vector<1x128xbf16>
    %sub3A_726 = vector.broadcast %slice3A_725 : vector<1x128xbf16> to vector<100x128xbf16>
    %sub3A_727 = arith.subf %sub3A_726, %convert_element_type3A_49 : vector<100x128xbf16>
    %max3A_728 = arith.constant 0.000000e+00 : bf16
    %max3A_729 = vector.broadcast %max3A_728 : bf16 to vector<100x128xbf16>
    %max3A_730 = arith.maximumf %sub3A_727, %max3A_729 : vector<100x128xbf16>
    %add3A_731 = arith.addf %add3A_717, %max3A_730 : vector<100x128xbf16>
    %slice3A_732 = vector.extract_strided_slice %select_n3A_55 {offsets = [97, 0], sizes = [1, 128], strides = [1, 1]} : vector<100x128xbf16> to vector<1x128xbf16>
    %sub3A_733 = vector.broadcast %slice3A_732 : vector<1x128xbf16> to vector<100x128xbf16>
    %sub3A_734 = arith.subf %sub3A_733, %convert_element_type3A_49 : vector<100x128xbf16>
    %max3A_735 = arith.constant 0.000000e+00 : bf16
    %max3A_736 = vector.broadcast %max3A_735 : bf16 to vector<100x128xbf16>
    %max3A_737 = arith.maximumf %sub3A_734, %max3A_736 : vector<100x128xbf16>
    %add3A_738 = arith.addf %add3A_724, %max3A_737 : vector<100x128xbf16>
    %slice3A_739 = vector.extract_strided_slice %select_n3A_55 {offsets = [98, 0], sizes = [1, 128], strides = [1, 1]} : vector<100x128xbf16> to vector<1x128xbf16>
    %sub3A_740 = vector.broadcast %slice3A_739 : vector<1x128xbf16> to vector<100x128xbf16>
    %sub3A_741 = arith.subf %sub3A_740, %convert_element_type3A_49 : vector<100x128xbf16>
    %max3A_742 = arith.constant 0.000000e+00 : bf16
    %max3A_743 = vector.broadcast %max3A_742 : bf16 to vector<100x128xbf16>
    %max3A_744 = arith.maximumf %sub3A_741, %max3A_743 : vector<100x128xbf16>
    %add3A_745 = arith.addf %add3A_731, %max3A_744 : vector<100x128xbf16>
    %slice3A_746 = vector.extract_strided_slice %select_n3A_55 {offsets = [99, 0], sizes = [1, 128], strides = [1, 1]} : vector<100x128xbf16> to vector<1x128xbf16>
    %sub3A_747 = vector.broadcast %slice3A_746 : vector<1x128xbf16> to vector<100x128xbf16>
    %sub3A_748 = arith.subf %sub3A_747, %convert_element_type3A_49 : vector<100x128xbf16>
    %max3A_749 = arith.constant 0.000000e+00 : bf16
    %max3A_750 = vector.broadcast %max3A_749 : bf16 to vector<100x128xbf16>
    %max3A_751 = arith.maximumf %sub3A_748, %max3A_750 : vector<100x128xbf16>
    %add3A_752 = arith.addf %add3A_738, %max3A_751 : vector<100x128xbf16>
    %convert_element_type3A_753 = arith.extf %add3A_745 : vector<100x128xbf16> to vector<100x128xf32>
    %convert_element_type3A_754 = arith.extf %add3A_752 : vector<100x128xbf16> to vector<100x128xf32>
    %add3A_755 = arith.addf %convert_element_type3A_753, %convert_element_type3A_754 : vector<100x128xf32>
    %mul3A = arith.mulf %add3A_755, %convert_element_type3A_7 : vector<100x128xf32>
    %reduce_sum3A_756 = arith.constant dense<0.000000e+00> : vector<128xf32>
    %reduce_sum3A_757 = vector.multi_reduction <add>, %mul3A, %reduce_sum3A_756 [0] : vector<100x128xf32> to vector<128xf32>
    %broadcast_in_dim3A_758 = vector.shape_cast %reduce_sum3A_757 : vector<128xf32> to vector<1x128xf32>
    %mul3A_759 = arith.mulf %sub3A_10, %broadcast_in_dim3A : vector<1x128xf32>
    %max3A_760 = arith.constant 1.000000e+00 : f32
    %max3A_761 = vector.broadcast %max3A_760 : f32 to vector<1x128xf32>
    %max3A_762 = arith.maximumf %mul3A_759, %max3A_761 : vector<1x128xf32>
    %div3A_763 = arith.divf %broadcast_in_dim3A_758, %max3A_762 : vector<1x128xf32>
    %gt3A_764 = arith.constant 0.000000e+00 : f32
    %gt3A_765 = vector.broadcast %gt3A_764 : f32 to vector<1x128xf32>
    %gt3A_766 = arith.cmpf ogt, %mul3A_759, %gt3A_765 : vector<1x128xf32>
    %eq3A_767 = arith.constant 0.000000e+00 : f32
    %eq3A_768 = vector.broadcast %eq3A_767 : f32 to vector<1x128xf32>
    %eq3A_769 = arith.cmpf oeq, %sub3A_10, %eq3A_768 : vector<1x128xf32>
    %eq3A_770 = arith.constant 0.000000e+00 : f32
    %eq3A_771 = vector.broadcast %eq3A_770 : f32 to vector<1x128xf32>
    %eq3A_772 = arith.cmpf oeq, %broadcast_in_dim3A, %eq3A_771 : vector<1x128xf32>
    %and3A = arith.andi %eq3A_769, %eq3A_772 : vector<1x128xi1>
    %eq3A_773 = arith.constant 0.000000e+00 : f32
    %eq3A_774 = vector.broadcast %eq3A_773 : f32 to vector<1x128xf32>
    %eq3A_775 = arith.cmpf oeq, %sub3A_10, %eq3A_774 : vector<1x128xf32>
    %select_n3A_776 = arith.select %eq3A_775, %div3A_37, %div3A : vector<1x128xi1>, vector<1x128xf32>
    %jit3A_777 = arith.constant 1.000000e+00 : f32
    %broadcast_in_dim3A_778 = vector.broadcast %jit3A_777 : f32 to vector<1x128xf32>
    %select_n3A_779 = arith.select %and3A, %broadcast_in_dim3A_778, %select_n3A_776 : vector<1x128xi1>, vector<1x128xf32>
    %select_n3A_780 = arith.select %gt3A_766, %div3A_763, %select_n3A_779 : vector<1x128xi1>, vector<1x128xf32>
    %add3A_781 = arith.addf %select_n3A_780, %select_n3A_42 : vector<1x128xf32>
    %add3A_782 = arith.addf %add3A_781, %select_n3A_48 : vector<1x128xf32>
    %reduce_sum3A_783 = vector.shape_cast %add3A_782 : vector<1x128xf32> to vector<1x1x128xf32>
    %reduce_sum3A_784 = arith.constant dense<0.000000e+00> : vector<1xf32>
    %reduce_sum3A_785 = vector.multi_reduction <add>, %reduce_sum3A_783, %reduce_sum3A_784 [1, 2] : vector<1x1x128xf32> to vector<1xf32>
    %reduce_sum3A_786 = vector.shape_cast %reduce_sum3A_785 : vector<1xf32> to vector<1x1x1xf32>
    %reduce_sum3A_787 = vector.extract %reduce_sum3A_786[0, 0, 0] : f32 from vector<1x1x1xf32>
    %eq3A_788 = arith.constant 0 : i32
    %eq3A_789 = arith.cmpi eq, %arg0, %eq3A_788 : i32
    %convert_element_type3A_790 = arith.extui %eq3A_789 : i1 to i32
    %cond3A = arith.constant 0 : i32
    %cond3A_791 = arith.cmpi ne, %convert_element_type3A_790, %cond3A : i32
    scf.if %cond3A_791 {
      %swap3A_801 = arith.constant 0.000000e+00 : f32
      %swap3A_802 = arith.constant 0 : index
      %swap3A_803 = memref.load %arg4[%swap3A_802] : memref<1xf32, #tpu.memory_space<smem>>
      memref.store %swap3A_801, %arg4[%swap3A_802] : memref<1xf32, #tpu.memory_space<smem>>
    } else {
    }
    %get3A_792 = arith.constant 0 : index
    %get3A_793 = memref.load %arg4[%get3A_792] : memref<1xf32, #tpu.memory_space<smem>>
    %add3A_794 = arith.addf %get3A_793, %reduce_sum3A_787 : f32
    %swap3A = arith.constant 0 : index
    %swap3A_795 = memref.load %arg4[%swap3A] : memref<1xf32, #tpu.memory_space<smem>>
    memref.store %add3A_794, %arg4[%swap3A] : memref<1xf32, #tpu.memory_space<smem>>
    %eq3A_796 = arith.constant 31 : i32
    %eq3A_797 = arith.cmpi eq, %arg0, %eq3A_796 : i32
    %convert_element_type3A_798 = arith.extui %eq3A_797 : i1 to i32
    %cond3A_799 = arith.constant 0 : i32
    %cond3A_800 = arith.cmpi ne, %convert_element_type3A_798, %cond3A_799 : i32
    scf.if %cond3A_800 {
      %get3A_801 = arith.constant 0 : index
      %get3A_802 = memref.load %arg4[%get3A_801] : memref<1xf32, #tpu.memory_space<smem>>
      %mul3A_803 = arith.constant 2.44140625E-4 : f32
      %mul3A_804 = arith.mulf %get3A_802, %mul3A_803 : f32
      %swap3A_805 = arith.constant 0 : index
      %swap3A_806 = memref.load %arg3[%swap3A_805] : memref<1xf32, #tpu.memory_space<smem>>
      memref.store %mul3A_804, %arg3[%swap3A_805] : memref<1xf32, #tpu.memory_space<smem>>
    } else {
    }
    return
  }
  func.func @transform_0(%arg0: i32) -> (i32, i32) {
    %c0_i32 = arith.constant 0 : i32
    %c0_i32_0 = arith.constant 0 : i32
    return %c0_i32, %arg0 : i32, i32
  }
  func.func @transform_1(%arg0: i32) -> (i32, i32) {
    %c0_i32 = arith.constant 0 : i32
    %c0_i32_0 = arith.constant 0 : i32
    return %c0_i32, %arg0 : i32, i32
  }
  func.func @transform_2(%arg0: i32) -> i32 {
    %c0_i32 = arith.constant 0 : i32
    %c0_i32_0 = arith.constant 0 : i32
    return %c0_i32 : i32
  }
}

</mosaic_0001>

<sc_bundles>
// kernel: kernel.4.cloned.1.call-start
scs
__scs_entry_jumppad:
0x0: {  	(pc) =	sbr.rel $0x88, $3  }
0x1: {  	(tag) =	ssettag $0x0;
	lr =	simm.s32 $0x1  }
0x2: {  	[smem:$0x3F9F] =	sst lr;
	_ =	strace $0xD0000000  }
0x3: {  	_ = 	snop  }
0x4: {  	_ = 	snop  }
0x5: {  	_ = 	snop  }
0x6: {  	_ = 	snop  }
0x7: {  	_ = 	snop  }
__scs_overlays_trampoline_lowered:
0x8: {  	[smem:$0x3FAE] =	sst s0  }
0x9: {  	[smem:$0x3FAF] =	sst s1  }
0xa: {  	[smem:$0x3FB0] =	sst s2  }
0xb: {  	[smem:$0x3FB1] =	sst s3  }
0xc: {  	[smem:$0x3FB2] =	sst s4  }
0xd: {  	[smem:$0x3FB3] =	sst s5  }
0xe: {  	[smem:$0x3FB4] =	sst s6  }
0xf: {  	[smem:$0x3FB5] =	sst s7  }
0x10: {  	[smem:$0x3FB6] =	sst s8  }
0x11: {  	[smem:$0x3FB7] =	sst s9;
	s0 =	simm.s32 @!p0 $0x0  }
0x12: {  	s1 =	sld [smem:$0x3F9D];
	s0 =	simm.s32 @p0 $0x1  }
0x13: {  	[smem:$0x3FB8] =	sst s0;
	s0 =	simm.s32 @!p1 $0x0  }
0x14: {  	s2 =	sld [smem:$0x3F9C];
	s0 =	simm.s32 @p1 $0x1  }
0x15: {  	[smem:$0x3FB9] =	sst s0;
	s0 =	simm.s32 @!p2 $0x0  }
0x16: {  	s3 =	sld [smem:$0x3FDB];
	s0 =	simm.s32 @p2 $0x1  }
0x17: {  	s4 =	simm.s32 $0x1BF5;
	[smem:$0x3FBB] =	sst s0  }
0x18: {  	s0 =	sld [smem:$0x3F9E];
	_ =	swait.ge [sflag:s4], $0x0  }
0x19: {  	s7 =	sld [smem:$0x3F9F]  }
0x1a: {  	s8 =	sadd.s32 $0xFFFFE003, lr  }
0x1b: {  	s9 =	sadd.s32 $0xFFFFFEF7, lr;
	s5 =	simm.s32 $0xFFFFFFFF;
	p2 =	slt.u32 s8, $0xFFFFF086  }
0x1c: {  	p1 =	slt.u32 s9, $0xF7A;
	s5 =	simm.s32 @!p2 $0x0  }
0x1d: {  	s5 =	simm.s32 @p1 $0x1;
	p0 =	seq.s32 s7, s2  }
0x1e: {  	s7 =	smul.u32 @!p0 $0xF7A, s2;
	p2 =	seq.s32 @!p0 s5, $0x0  }
0x1f: {  	s9 =	smul.u32 $0xF7A, s1;
	s8 =	simm.s32 @!p0 $0x1BF5;
	p2 =	por !p2, p0  }
0x20: {  	[sflag:s8] =	ssyncset.s32 @!p0 $0xFFFFF086;
	s6 =	sadd.s32 @!p0 s3, s7;
	s7 =	simm.s32 @!p0 $0x108  }
0x21: {  	s3 =	sadd.s32 s3, s9;
	s6 =	sadd.s32 @!p0 $0x88, s6;
	s7 =	simm.s32 @p2 $0x1082  }
0x22: {  	[simem:s7], [sflag:s8] =	dma.local @!p0 [hbm:s6], $0xF7A  }
0x23: {  	s9 =	sor.u32 $0xD0000000, s2;
	s6 =	simm.s32 $0x108;
	_ =	swait.ge @!p0 [sflag:s8], $0x0  }
0x24: {  	s3 =	sadd.s32 $0x88, s3;
	s6 =	simm.s32 @!p1 $0x1082;
	[sflag:s4] =	ssyncset.s32 $0xFFFFF086  }
0x25: {  	[simem:s6], [sflag:s4] =	dma.local [hbm:s3], $0xF7A  }
0x26: {  	[smem:$0x3F9F] =	sst s1;
	(tag) =	ssettag s2;
	_ =	strace s9  }
0x27: {  	s1 =	sld [smem:$0x3FAF]  }
0x28: {  	s2 =	sld [smem:$0x3FB0]  }
0x29: {  	s4 =	sld [smem:$0x3FB2]  }
0x2a: {  	p0 =	seq.s32 s5, $0x0;
	s5 =	sld [smem:$0x3FB3]  }
0x2b: {  	s6 =	sld [smem:$0x3FB4]  }
0x2c: {  	s7 =	sld [smem:$0x3FB5]  }
0x2d: {  	s3 =	simm.s32 $0x108;
	s8 =	sld [smem:$0x3FB6]  }
0x2e: {  	s3 =	simm.s32 @!p0 $0x1082;
	s9 =	sld [smem:$0x3FB7]  }
0x2f: {  	lr =	sadd.s32 s0, s3;
	s0 =	sld [smem:$0x3FAE]  }
0x30: {  	s3 =	sld [smem:$0x3FB1]  }
0x31: {  	[smem:$0x3FBA] =	sst s10  }
0x32: {  	s10 =	sld [smem:$0x3FB8];
	_ =	sdelay $0x3  }
0x33: {  	p0 =	seq.s32 s10, $0x1;
	s10 =	sld [smem:$0x3FBA];
	_ =	sdelay $0x3  }
0x34: {  	[smem:$0x3FBA] =	sst s10  }
0x35: {  	s10 =	sld [smem:$0x3FB9];
	_ =	sdelay $0x3  }
0x36: {  	p1 =	seq.s32 s10, $0x1;
	s10 =	sld [smem:$0x3FBA];
	_ =	sdelay $0x3  }
0x37: {  	[smem:$0x3FBA] =	sst s10  }
0x38: {  	s10 =	sld [smem:$0x3FBB]  }
0x39: {  	_ = 	snop;
	(pc) =	sbr.ind lr, $3  }
0x3a: {  	_ = 	snop  }
0x3b: {  	_ = 	snop  }
0x3c: {  	p2 =	seq.s32 s10, $0x1;
	s10 =	sld [smem:$0x3FBA]  }
0x3d: {  	_ =	shalt  }
0x3e: {  	_ =	shalt  }
0x3f: {  	_ =	shalt  }
0x40: {  	_ =	shalt  }
0x41: {  	_ =	shalt  }
0x42: {  	_ =	shalt  }
0x43: {  	_ =	shalt  }
0x44: {  	_ =	shalt  }
0x45: {  	_ =	shalt  }
0x46: {  	_ =	shalt  }
0x47: {  	_ =	shalt  }
0x48: {  	_ =	shalt  }
0x49: {  	_ =	shalt  }
0x4a: {  	_ =	shalt  }
0x4b: {  	_ =	shalt  }
0x4c: {  	_ =	shalt  }
0x4d: {  	_ =	shalt  }
0x4e: {  	_ =	shalt  }
0x4f: {  	_ =	shalt  }
0x50: {  	_ =	shalt  }
0x51: {  	_ =	shalt  }
0x52: {  	_ =	shalt  }
0x53: {  	_ =	shalt  }
0x54: {  	_ =	shalt  }
0x55: {  	_ =	shalt  }
0x56: {  	_ =	shalt  }
0x57: {  	_ =	shalt  }
0x58: {  	_ =	shalt  }
0x59: {  	_ =	shalt  }
0x5a: {  	_ =	shalt  }
0x5b: {  	_ =	shalt  }
0x5c: {  	_ =	shalt  }
0x5d: {  	_ =	shalt  }
0x5e: {  	_ =	shalt  }
0x5f: {  	_ =	shalt  }
0x60: {  	_ =	shalt  }
0x61: {  	_ =	shalt  }
0x62: {  	_ =	shalt  }
0x63: {  	_ =	shalt  }
0x64: {  	_ =	shalt  }
0x65: {  	_ =	shalt  }
0x66: {  	_ =	shalt  }
0x67: {  	_ =	shalt  }
0x68: {  	_ =	shalt  }
0x69: {  	_ =	shalt  }
0x6a: {  	_ =	shalt  }
0x6b: {  	_ =	shalt  }
0x6c: {  	_ =	shalt  }
0x6d: {  	_ =	shalt  }
0x6e: {  	_ =	shalt  }
0x6f: {  	_ =	shalt  }
0x70: {  	_ =	shalt  }
0x71: {  	_ =	shalt  }
0x72: {  	_ =	shalt  }
0x73: {  	_ =	shalt  }
0x74: {  	_ =	shalt  }
0x75: {  	_ =	shalt  }
0x76: {  	_ =	shalt  }
0x77: {  	_ =	shalt  }
0x78: {  	_ =	shalt  }
0x79: {  	_ =	shalt  }
0x7a: {  	_ =	shalt  }
0x7b: {  	_ =	shalt  }
0x7c: {  	_ =	shalt  }
0x7d: {  	_ =	shalt  }
0x7e: {  	_ =	shalt  }
0x7f: {  	_ =	shalt  }
0x80: {  	_ =	shalt  }
0x81: {  	_ =	shalt  }
0x82: {  	_ =	shalt  }
0x83: {  	_ =	shalt  }
0x84: {  	_ =	shalt  }
0x85: {  	_ =	shalt  }
0x86: {  	_ =	shalt  }
0x87: {  	_ =	shalt  }
.Lfunc_end0:
.L_simem_size_0:
called_computation_lowered:
.L_overlay_start_0:
0x88: {  	s2 =	sld [smem:$0x3FD9]  }
0x89: {  	s3 =	sld [smem:$0x3FFE];
	_ =	sdelay $0x1  }
0x8a: {  	s1 =	srdreg.scid  }
0x8b: {  	s0 =	sand.u32 $0x1, s1  }
0x8c: {  	s16 =	sshll.u32 s0, $0xA;
	s2 =	sadd.s32 s3, s2  }
0x8d: {  	s2 =	sadd.s32 s2, s16  }
0x8e: {  	[smem:$0x3FC6] =	sst s2  }
0x8f: {  	_ = 	snop  }
0x90: {  	(tm) =	ssettm $0x1  }
0x91: {  	s17 =	sld [smem:$0x3FFB];
	_ =	sdelay $0x3  }
0x92: {  	_ =	strace s17  }
0x93: {  	s2 =	sld [smem:$0x3FFC];
	_ =	sdelay $0x3  }
0x94: {  	_ =	strace s2  }
0x95: {  	s2 =	sld [smem:$0x3FFD];
	_ =	sdelay $0x3  }
0x96: {  	_ =	strace s2  }
0x97: {  	_ =	strace $0x8FFFFFFF  }
0x98: {  	s18 =	sld [smem:$0x3FDB];
	_ =	sdelay $0x1  }
0x99: {  	s19 =	simm.s32 $_scs_section_size  }
0x9a: {  	s4 =	simm.s32 $_size__tile_overlayer_lowered;
	s5 =	simm.s32 $_tile_overlayer_lowered  }
0x9b: {  	s22 =	simm.s32 $0x1BFF;
	s21 =	sshll.u32 s5, $0x1;
	s2 =	sadd.s32 s19, s18  }
0x9c: {  	s6 =	simm.s32 $0x0;
	s20 =	sshll.u32 s4, $0x1;
	s4 =	sadd.s32 s21, s2  }
0x9d: {  	[timem:s6], [sflag:s22] =	dma.local [hbm:s4], s20  }
0x9e: {  	_ =	swait.ge [sflag:s22], s20  }
0x9f: {  	s3 =	ssub.s32 $0x0, s20;
	[sflag:s22] =	ssyncset.done $0x0  }
0xa0: {  	[sflag:s22] =	ssyncadd.s32 s3;
	_ =	sdelay $0x1  }
0xa1: {  	s23 =	simm.s32 $0x1B8B  }
0xa2: {  	_ =	swait.ge [sflag:s23], $0x1  }
0xa3: {  	[sflag:s23] =	ssyncset.done $0x0  }
0xa4: {  	s25 =	simm.s32 $0x1B8E;
	s24 =	sld [smem:$0x3FFE];
	[sflag:s23] =	ssyncadd.s32 $0xFFFFFFFF  }
0xa5: {  	s26 =	simm.s32 $execute0_lowered;
	[smem:$0x3FD2] =	sst s25  }
0xa6: {  	s4 =	sshll.u32 s26, $0x1;
	_ =	strace $0x80000046;
	[dreg:$0x1] =	wrdreg $0xFFFFFFFF  }
0xa7: {  	s28 =	simm.s32 $_size_execute0_lowered;
	s2 =	sadd.s32 s2, s4;
	[dreg:$0x0] =	wrdreg $0x0  }
0xa8: {  	s4 =	sshll.u32 s28, $0x1;
	[dreg:$0x2] =	wrdreg s2  }
0xa9: {  	[dreg:$0x3] =	wrdreg s4  }
0xaa: {  	[dreg:$0x4] =	wrdreg $0xC0  }
0xab: {  	_ =	task [dreg:s6], $0x5FFFF  }
0xac: {  	[dreg:$0x1] =	wrdreg $0xFFFFFFFF  }
0xad: {  	[dreg:$0x0] =	wrdreg $0x60  }
0xae: {  	[dreg:$0x2] =	wrdreg s24  }
0xaf: {  	[dreg:$0x3] =	wrdreg $0x9  }
0xb0: {  	_ =	task.clear_ibuf [dreg:s6], $0x4FFFF;
	_ =	strace $0x90000046  }
0xb1: {  	s29 =	simm.s32 $0x9;
	_ =	strace $0x80000048  }
0xb2: {  	_ =	swait.ge [sflag:s29], $0x1  }
0xb3: {  	[sflag:s29] =	ssyncadd.s32 $0xFFFFFFFF  }
0xb4: {  	_ =	strace $0x90000048  }
0xb5: {  	_ =	sfence  }
0xb6: {  	s30 =	sld [smem:$0x0];
	_ =	sdelay $0x2  }
0xb7: {  	s31 =	sshll.u32 s1, $0xD;
	s1 =	sshrl.u32 s1, $0x2  }
0xb8: {  	s3 =	sand.u32 $0x4000, s31;
	s1 =	sadd.s32 s1, s30  }
0xb9: {  	s0 =	sor.u32 s3, s0;
	s1 =	sshll.u32 s1, $0x11  }
0xba: {  	s0 =	sor.u32 s1, s0  }
0xbb: {  	s0 =	sadd.s32 $0x8F2B, s0  }
0xbc: {  	[sflag:s0] =	ssyncadd.remote.s32 $0x1  }
0xbd: {  	_ =	sfence.sel $0xFFFF  }
0xbe: {  	[dreg:$0x0] =	wrdreg $0xFFFFFFFF;
	(pc) =	sbr.abs _section_cstart, $3  }
0xbf: {  	[dreg:$0x1] =	wrdreg $0xFFFFFFFF  }
0xc0: {  	_ =	task.clear_ibuf [dreg:s6], $0x2FFFF;
	_ =	strace $0x9FFFFFFF  }
0xc1: {  	(tm) =	ssettm $0x7FFFFFFF  }
tec
execute0_lowered:
.L_overlay_start_1:
0x0: {  	(tag) =	ssettag $0x1  }
0x1: {  	s1 =	srdreg.scid;
	s0 =	stileid.u32  }
0x2: {  	s7 =	sand.u32 $0x1, s1;
	s30 =	sshll.u32 s0, $0x1  }
0x3: {  	s8 =	rddreg [dreg:$0x0];
	s9 =	sor.u32 s7, s30  }
0x4: {  	s2 =	simm.s32 $0x0;
	s1 =	rddreg [dreg:$0x1];
	s3 =	sshll.u32 s9, $0xB  }
0x5: {  	[smem:$0x7FF] =	sst s2;
	s5 =	sadd.s32 s3, s8  }
0x6: {  	_ =	strace $0x80000047;
	s3 =	simm.s32 $0x1;
	s4 =	sadd.s32 $0x400, s5  }
0x7: {  	[tilespmem:s2], [sflag:$0x1] =	stream.linear.gather [hbm4b:s4+s2], $0x4000, $0x38;
	[tilespmem:$0x8080] =	vst v63  }
0x8: {  	s6 =	simm.s32 $0x4000;
	s7 =	ssub.s32 $0x2, s7;
	_ =	swait.ge [sflag:s3], $0x4000  }
0x9: {  	s9 =	sshll.u32 s9, $0x4;
	s10 =	sshrl.u32 s7, $0x1;
	[sflag:s3] =	ssyncset.done $0x0  }
0xa: {  	s31 =	ssub.s32 s7, s10;
	s5 =	sadd.s32 $0x10400, s5;
	[sflag:s3] =	ssyncadd.s32 $0xFFFFC000  }
0xb: {  	[tilespmem:s6], [sflag:$0x1] =	stream.linear.gather [hbm4b:s5+s2], $0x4000, $0x38;
	[tilespmem:$0x8080] =	vst v63  }
0xc: {  	s8 =	sadd.s32 s9, s8;
	s9 =	smax.u32 s31, $0x1;
	_ =	swait.ge [sflag:s3], $0x4000  }
0xd: {  	p0 =	sne.s32 s9, $0x1;
	[sflag:s3] =	ssyncset.done $0x0  }
.Ltmp0:
0xe: {  	v0 =	vimm.f32 $0.0e+00;
	[sflag:s3] =	ssyncadd.s32 $0xFFFFC000;
	(pc) =	sbr.rel @!p0 .LBB2_2-.Ltmp0, $4  }
0xf: {  	s7 =	sadd.s32 $0x20400, s8;
	s8 =	simm.s32 $0x8000;
	[tilespmem:$0x8000] =	vst v0  }
0x10: {  	[hbm4b:s7+s2] =	stream.linear.scatter [tilespmem:s8], [sflag:$0x1], $0x80, $0x38;
	[tilespmem:$0x8080] =	vst v63  }
0x11: {  	_ =	swait.ge [sflag:s3], $0x80  }
0x12: {  	s9 =	sadd.s32 $0xFFFFFFFF, s9;
	[sflag:s3] =	ssyncset.done $0x0  }
.LBB2_1:
0x13: {  	p0 =	sne.s32 s9, $0x1;
	s9 =	sadd.s32 $0xFFFFFFFF, s9;
	[sflag:s3] =	ssyncadd.s32 $0xFFFFFF80  }
0x14: {  	[tilespmem:s2], [sflag:$0x1] =	stream.linear.gather [hbm4b:s4+s2], $0x4000, $0x38;
	[tilespmem:$0x8080] =	vst v63  }
0x15: {  	_ =	swait.ge [sflag:s3], $0x4000  }
0x16: {  	[sflag:s3] =	ssyncset.done $0x0  }
0x17: {  	[sflag:s3] =	ssyncadd.s32 $0xFFFFC000  }
0x18: {  	[tilespmem:s6], [sflag:$0x1] =	stream.linear.gather [hbm4b:s5+s2], $0x4000, $0x38;
	[tilespmem:$0x8080] =	vst v63  }
0x19: {  	_ =	swait.ge [sflag:s3], $0x4000  }
0x1a: {  	[sflag:s3] =	ssyncset.done $0x0  }
.Ltmp1:
0x1b: {  	[sflag:s3] =	ssyncadd.s32 $0xFFFFC000;
	(pc) =	sbr.rel @p0 .LBB2_1-.Ltmp1, $4  }
0x1c: {  	[tilespmem:$0x8000] =	vst v0  }
0x1d: {  	[hbm4b:s7+s2] =	stream.linear.scatter [tilespmem:s8], [sflag:$0x1], $0x80, $0x38;
	[tilespmem:$0x8080] =	vst v63  }
0x1e: {  	_ =	swait.ge [sflag:s3], $0x80  }
0x1f: {  	[sflag:s3] =	ssyncset.done $0x0  }
.LBB2_2:
0x20: {  	[sflag:s3] =	ssyncadd.s32 $0xFFFFFF80  }
0x21: {  	_ =	sfence.sel $0x180000  }
0x22: {  	[bflag:$0x0] =	sbarrier.arrive $0xFFFF  }
0x23: {  	p0 =	sne.s32 s0, $0x0;
	_ =	strace $0x90000047  }
0x24: {  	s0 =	sadd.s32 @!p0 $0x100000, s1;
	[bflag:$0x2] =	sbarrier.arrive $0xFFFF  }
0x25: {  	[sflag:s0] =	ssyncadd.tile.s32 @!p0 $0x1;
	_ =	shalt  }
.Lfunc_end2:
_tile_overlayer_lowered:
.L_overlay_start_2:
0x26: {  	(tag) =	ssettag $0x2  }
0x27: {  	s0 =	rddreg [dreg:$0x0];
	s2 =	stileid.u32  }
0x28: {  	s1 =	rddreg [dreg:$0x1];
	p0 =	sne.s32 s2, $0x0  }
0x29: {  	s3 =	rddreg [dreg:$0x2];
	[bflag:$0x3] =	sbarrier.arrive $0xFFFF;
	s2 =	simm.s32 @!p0 $0x1C01  }
0x2a: {  	[timem:s3], [sflag:s2] =	dma.local @!p0 [hbm:s0], s1  }
0x2b: {  	s0 =	simm.s32 @!p0 $0x1  }
0x2c: {  	_ =	swait.ge @!p0 [sflag:s0], s1  }
0x2d: {  	s1 =	ssub.s32 @!p0 $0x0, s1;
	[sflag:s0] =	ssyncset.done @!p0 $0x0  }
0x2e: {  	[sflag:s0] =	ssyncadd.s32 @!p0 s1  }
0x2f: {  	[bflag:$0x3] =	sbarrier.arrive $0xFFFF  }
0x30: {  	_ =	shalt  }

</sc_bundles>
